<compile_context>
chip_gen: v7x
topology: tpu7x:2x2x1
jax: 0.10.2.dev20260603
libtpu: 0.0.44.dev20260713+nightly
codegen_flags: <defaults>
</compile_context>

<pallas_src>
import functools

import jax
import jax.numpy as jnp
from jax import lax
from jax.experimental import pallas as pl
from jax.experimental.pallas import tpu as pltpu
from jax.experimental.pallas import tpu_sc as plsc

C = 64
K = 16
HEAD_C = 16
NEG = 0.2
ONE_MINUS_NEG = 0.8
EPS = 1e-6
NORM_EPS = 1e-12

NB_PREP = 512
RB_KNN = 1024
MB_ATT = 256
SC_CHUNK = 128


def _vn_leaky(p_list, d_list):
    dot = sum(p * d for p, d in zip(p_list, d_list))
    dsq = sum(d * d for d in d_list)
    fac = jnp.where(dot < 0, ONE_MINUS_NEG * dot / (dsq + EPS), 0.0)
    return [p - fac * d for p, d in zip(p_list, d_list)]


def _mm(a, w):
    return lax.dot_general(a, w, (((1,), (1,)), ((), ())),
                           preferred_element_type=jnp.float32)



def _prep_body(x_ref, y_ref, wqf_ref, wqd_ref, wkcf_ref, wkcd_ref,
               wvcf_ref, wvcd_ref,
               qx_ref, ckp_ref, ckd_ref, cvp_ref, cvd_ref):
    wqf, wqd = wqf_ref[...], wqd_ref[...]
    qp = [_mm(x_ref[0, d], wqf) for d in range(3)]
    qd = [_mm(x_ref[0, d], wqd) for d in range(3)]
    q = _vn_leaky(qp, qd)
    qn2 = sum(t * t for t in q)
    tot = jnp.sqrt(jnp.sum(qn2, axis=1, keepdims=True))
    inv_tot = 1.0 / jnp.maximum(tot, NORM_EPS)
    for d in range(3):
        qx_ref[0, d] = q[d] * inv_tot
    for w_ref, o_ref in ((wkcf_ref, ckp_ref), (wkcd_ref, ckd_ref),
                         (wvcf_ref, cvp_ref), (wvcd_ref, cvd_ref)):
        w = w_ref[...]
        for d in range(3):
            o_ref[0, d] = _mm(y_ref[0, d], w)


def _run_prep(x3, y3, wqf, wqd, wkcf, wkcd, wvcf, wvcd):
    B, _, N, _ = x3.shape
    grid = (B, N // NB_PREP)
    blk = pl.BlockSpec((1, 3, NB_PREP, C), lambda b, i: (b, 0, i, 0))
    wblk = pl.BlockSpec((C, C), lambda b, i: (0, 0))
    out = jax.ShapeDtypeStruct((B, 3, N, C), jnp.float32)
    return pl.pallas_call(
        _prep_body,
        grid=grid,
        in_specs=[blk, blk, wblk, wblk, wblk, wblk, wblk, wblk],
        out_specs=[blk] * 5,
        out_shape=[out] * 5,
    )(x3, y3, wqf, wqd, wkcf, wkcd, wvcf, wvcd)



def _knn_body(ycb_ref, yc_ref, idx_ref, *, n):
    ycb = ycb_ref[0]
    yc = yc_ref[0]
    g = lax.dot_general(ycb, yc, (((0,), (0,)), ((), ())),
                        preferred_element_type=jnp.float32)
    s_row = jnp.sum(ycb * ycb, axis=0, keepdims=True).reshape(-1, 1)
    s_col = jnp.sum(yc * yc, axis=0, keepdims=True)
    vals = (2.0 * g - s_col) - (s_row + 1.0)
    u = lax.bitcast_convert_type(vals, jnp.int32)
    col = lax.broadcasted_iota(jnp.int32, vals.shape, 1)
    keys = lax.bitcast_convert_type((u & jnp.int32(~2047)) | col,
                                    jnp.float32)
    picks = []
    for _ in range(K):
        m = jnp.max(keys, axis=1, keepdims=True)
        mi = lax.bitcast_convert_type(m, jnp.int32)
        picks.append(mi & jnp.int32(2047))
        keys = jnp.where(keys == m, -jnp.inf, keys)
    base = pl.program_id(0) * n
    idx_ref[0] = jnp.concatenate(picks, axis=1) + base


def _run_knn(y_cols):
    B, _, N = y_cols.shape
    grid = (B, N // RB_KNN)
    return pl.pallas_call(
        functools.partial(_knn_body, n=N),
        grid=grid,
        in_specs=[
            pl.BlockSpec((1, 3 * C, RB_KNN), lambda b, i: (b, 0, i)),
            pl.BlockSpec((1, 3 * C, N), lambda b, i: (b, 0, 0)),
        ],
        out_specs=pl.BlockSpec((1, RB_KNN, K), lambda b, i: (b, i, 0)),
        out_shape=jax.ShapeDtypeStruct((B, N, K), jnp.int32),
    )(y_cols, y_cols)



def _sc_gather_body(nc, n_chunks, t0, t1, t2, idx_hbm, g0, g1, g2,
                    idx_a, idx_b, a0, a1, a2, b0, b1, b2, sem_a, sem_b):
    wid = lax.axis_index("s") * nc + lax.axis_index("c")
    base = wid * (n_chunks * SC_CHUNK)
    tables = (t0, t1, t2)
    outs = (g0, g1, g2)

    def off(i):
        return pl.multiple_of(base + i * SC_CHUNK, SC_CHUNK)

    def fire(idx_v, rows, sem, i):
        pltpu.sync_copy(idx_hbm.at[pl.ds(off(i), SC_CHUNK)], idx_v)
        for t, r in zip(tables, rows):
            pltpu.async_copy(t.at[idx_v], r, sem)

    def drain_write(idx_v, rows, sem, i):
        for t, r in zip(tables, rows):
            pltpu.make_async_copy(t.at[idx_v], r, sem).wait()
        for g, r in zip(outs, rows):
            pltpu.sync_copy(r, g.at[pl.ds(off(i), SC_CHUNK)])

    rows_a = (a0, a1, a2)
    rows_b = (b0, b1, b2)
    n_half = n_chunks // 2
    fire(idx_a, rows_a, sem_a, 0)

    def pair(j, carry):
        fire(idx_b, rows_b, sem_b, 2 * j + 1)
        drain_write(idx_a, rows_a, sem_a, 2 * j)

        @pl.when(j + 1 < n_half)
        def _():
            fire(idx_a, rows_a, sem_a, 2 * j + 2)

        drain_write(idx_b, rows_b, sem_b, 2 * j + 1)
        return carry

    lax.fori_loop(0, n_half, pair, 0)


def _run_sc_gather(t0, t1, t2, idx_flat):
    (p,) = idx_flat.shape
    info = plsc.get_sparse_core_info()
    nc, ns = info.num_cores, info.num_subcores
    nw = nc * ns
    n_chunks = p // (nw * SC_CHUNK)
    mesh = plsc.VectorSubcoreMesh(core_axis_name="c", subcore_axis_name="s")
    out = jax.ShapeDtypeStruct((p, C), jnp.float32)
    rbuf = pltpu.VMEM((SC_CHUNK, C), jnp.float32)
    run = pl.kernel(
        functools.partial(_sc_gather_body, nc, n_chunks),
        out_type=[out] * 3,
        mesh=mesh,
        compiler_params=pltpu.CompilerParams(use_tc_tiling_on_sc=False),
        scratch_types=[
            pltpu.VMEM((SC_CHUNK,), jnp.int32),
            pltpu.VMEM((SC_CHUNK,), jnp.int32),
            rbuf, rbuf, rbuf, rbuf, rbuf, rbuf,
            pltpu.SemaphoreType.DMA,
            pltpu.SemaphoreType.DMA,
        ],
    )
    return run(t0, t1, t2, idx_flat)



def _swap64(t):
    return jnp.concatenate((t[..., C:], t[..., :C]), axis=-1)


def _dup(t2d):
    return jnp.concatenate((t2d, t2d), axis=-1).reshape(1, MB_ATT, 2 * C)


def _attend_body(g0_ref, g1_ref, g2_ref, ckp_ref, ckd_ref, cvp_ref,
                 cvd_ref, qx_ref, x_ref, wkaf_ref, wkad_ref, wvaf_ref,
                 wvad_ref, out_ref):
    kh = K // 2
    g_refs = (g0_ref, g1_ref, g2_ref)
    wkaf, wkad = wkaf_ref[...], wkad_ref[...]
    wvaf, wvad = wvaf_ref[...], wvad_ref[...]
    pk, dk, pv, dv = [], [], [], []
    for d in range(3):
        gm = g_refs[d][0, :, 0].reshape(kh * MB_ATT, 2 * C)
        pk.append(_mm(gm, wkaf).reshape(kh, MB_ATT, 2 * C)
                  + _dup(ckp_ref[0, d]))
        dk.append(_mm(gm, wkad).reshape(kh, MB_ATT, 2 * C)
                  + _dup(ckd_ref[0, d]))
        pv.append(_mm(gm, wvaf).reshape(kh, MB_ATT, 2 * C)
                  + _dup(cvp_ref[0, d]))
        dv.append(_mm(gm, wvad).reshape(kh, MB_ATT, 2 * C)
                  + _dup(cvd_ref[0, d]))
    kf = _vn_leaky(pk, dk)
    vf = _vn_leaky(pv, dv)
    qn2 = sum(t * t for t in kf)
    li = lax.broadcasted_iota(jnp.int32, (2 * C, 2 * C), 0)
    lj = lax.broadcasted_iota(jnp.int32, (2 * C, 2 * C), 1)
    seg = (li // C == lj // C).astype(jnp.float32)
    tot2 = lax.dot_general(qn2.reshape(kh * MB_ATT, 2 * C), seg,
                           (((1,), (0,)), ((), ())),
                           preferred_element_type=jnp.float32)
    inv_tot = lax.rsqrt(jnp.maximum(tot2, NORM_EPS * NORM_EPS))
    inv_tot = inv_tot.reshape(kh, MB_ATT, 2 * C)
    qxs = [_dup(qx_ref[0, d]) for d in range(3)]
    qk = sum(kf[d] * qxs[d] for d in range(3)) * inv_tot
    h = (li // HEAD_C == lj // HEAD_C).astype(jnp.float32)
    h = h / jnp.sqrt(jnp.float32(3 * HEAD_C))
    s = lax.dot_general(qk.reshape(kh * MB_ATT, 2 * C), h,
                        (((1,), (0,)), ((), ())),
                        preferred_element_type=jnp.float32)
    s = s.reshape(kh, MB_ATT, 2 * C)
    mx = jnp.max(s, axis=0, keepdims=True)
    mx = jnp.maximum(mx, _swap64(mx))
    e = jnp.exp(s - mx)
    se = jnp.sum(e, axis=0)
    r = 1.0 / (se + _swap64(se))
    for d in range(3):
        acc = jnp.sum(e * vf[d], axis=0) * r
        out_ref[0, d] = x_ref[0, d] + (acc[:, :C] + acc[:, C:])


def _run_attend(g0, g1, g2, ckp, ckd, cvp, cvd, qx3, x3,
                wkaf, wkad, wvaf, wvad):
    B, _, N, _ = x3.shape
    nblk = N // MB_ATT
    grid = (B, nblk)
    gshape = (B, K // 2, nblk, MB_ATT, 2 * C)
    gspec = pl.BlockSpec((1, K // 2, 1, MB_ATT, 2 * C),
                         lambda b, i: (b, 0, i, 0, 0))
    blk = pl.BlockSpec((1, 3, MB_ATT, C), lambda b, i: (b, 0, i, 0))
    wblk = pl.BlockSpec((2 * C, 2 * C), lambda b, i: (0, 0))

    def bd(w):
        z = jnp.zeros((C, C), jnp.float32)
        return jnp.concatenate(
            (jnp.concatenate((w, z), axis=1),
             jnp.concatenate((z, w), axis=1)), axis=0)

    return pl.pallas_call(
        _attend_body,
        grid=grid,
        in_specs=[gspec, gspec, gspec, blk, blk, blk, blk, blk, blk,
                  wblk, wblk, wblk, wblk],
        out_specs=blk,
        out_shape=jax.ShapeDtypeStruct((B, 3, N, C), jnp.float32),
    )(g0.reshape(gshape), g1.reshape(gshape), g2.reshape(gshape),
      ckp, ckd, cvp, cvd, qx3, x3,
      bd(wkaf), bd(wkad), bd(wvaf), bd(wvad))



def kernel(x, y, wq_feat, wq_dir, wk_feat, wk_dir, wv_feat, wv_dir):
    B, Cc, _, N = x.shape
    x3 = jnp.transpose(x, (0, 2, 3, 1))
    y3 = jnp.transpose(y, (0, 2, 3, 1))
    y_cols = y.reshape(B, 3 * Cc, N)

    wka_f, wkc_f = wk_feat[:, :Cc], wk_feat[:, Cc:] - wk_feat[:, :Cc]
    wka_d, wkc_d = wk_dir[:, :Cc], wk_dir[:, Cc:] - wk_dir[:, :Cc]
    wva_f, wvc_f = wv_feat[:, :Cc], wv_feat[:, Cc:] - wv_feat[:, :Cc]
    wva_d, wvc_d = wv_dir[:, :Cc], wv_dir[:, Cc:] - wv_dir[:, :Cc]

    qx3, ckp, ckd, cvp, cvd = _run_prep(
        x3, y3, wq_feat, wq_dir, wkc_f, wkc_d, wvc_f, wvc_d)

    gidx = _run_knn(y_cols)

    t0 = y3[:, 0].reshape(B * N, Cc)
    t1 = y3[:, 1].reshape(B * N, Cc)
    t2 = y3[:, 2].reshape(B * N, Cc)
    idx_flat = jnp.transpose(gidx, (0, 2, 1)).reshape(B, K // 2, 2, N)
    idx_flat = jnp.transpose(idx_flat, (0, 1, 3, 2)).reshape(-1)
    g0, g1, g2 = _run_sc_gather(t0, t1, t2, idx_flat)

    out3 = _run_attend(g0, g1, g2, ckp, ckd, cvp, cvd, qx3, x3,
                       wka_f, wka_d, wva_f, wva_d)
    return jnp.transpose(out3, (0, 3, 1, 2))

# --- scband reference (transcript-rebuilt; emitter-appended) ---
"""Pipeline reference for scband-cross-context-44160853738070 (READ-ONLY COPY).

The authoritative reference and input builder live on the scoring server;
editing this copy changes nothing except your own understanding.
"""

import jax, jax.numpy as jnp
import numpy as np

FEATURE_DIM = 64
MULTI_HEAD_C = 16
K_NN = 16
NEG_SLOPE = 0.2
EPS = 1e-6


def vn_linear_leaky_relu(x, w_feat, w_dir):
    # x: [B, C_in, 3, ...]; torch applies nn.Linear over the channel dim (dim 1)
    p = jnp.einsum('oc,bc...->bo...', w_feat, x)
    d = jnp.einsum('oc,bc...->bo...', w_dir, x)
    dot = jnp.sum(p * d, axis=2, keepdims=True)
    mask = (dot >= 0).astype(x.dtype)
    d_norm_sq = jnp.sum(d * d, axis=2, keepdims=True)
    return NEG_SLOPE * p + (1.0 - NEG_SLOPE) * (mask * p + (1.0 - mask) * (p - (dot / (d_norm_sq + EPS)) * d))


def channel_equi_vec_normalize(x, eps=1e-12):
    # x: [B, C, 3, ...]
    x_norm = jnp.linalg.norm(x, axis=2, keepdims=True)
    x_dir = x / jnp.maximum(x_norm, eps)
    x_normalized_norm = x_norm / jnp.maximum(jnp.linalg.norm(x_norm, axis=1, keepdims=True), eps)
    return x_dir * x_normalized_norm


def get_graph_feature(x, k):
    # x: [B, C, 3, N] -> [B, 2C, 3, N, k] (DGCNN-style kNN graph feature, vector-neuron variant)
    B, C, three, N = x.shape
    x_flat = x.reshape(B, C * 3, N)
    inner = -2.0 * jnp.einsum('bdn,bdm->bnm', x_flat, x_flat)
    xx = jnp.sum(x_flat ** 2, axis=1, keepdims=True)  # [B,1,N]
    pairwise = -jnp.transpose(xx, (0, 2, 1)) - inner - xx  # [B,N,N]
    _, idx = jax.lax.top_k(pairwise, k)  # [B,N,k]
    xt = jnp.transpose(x_flat, (0, 2, 1))  # [B,N,3C]
    feature = xt[jnp.arange(B)[:, None, None], idx]  # [B,N,k,3C] gather
    feature = feature.reshape(B, N, k, C, 3)
    x_c = jnp.broadcast_to(xt.reshape(B, N, 1, C, 3), (B, N, k, C, 3))
    feature = jnp.concatenate([feature - x_c, x_c], axis=3)  # [B,N,k,2C,3]
    return jnp.transpose(feature, (0, 3, 4, 1, 2))  # [B,2C,3,N,k]


def setup_inputs(seed: int = 0):
    key = jax.random.key(seed)
    ks = jax.random.split(key, 8)
    B, C, N = 4, FEATURE_DIM, 2048
    x = jax.random.normal(ks[0], (B, C, 3, N), dtype=jnp.float32)
    y = jax.random.normal(ks[1], (B, C, 3, N), dtype=jnp.float32)

    def lin(k_, out_c, in_c):
        bound = 1.0 / np.sqrt(in_c)
        return jax.random.uniform(k_, (out_c, in_c), jnp.float32, -bound, bound)

    return {
        'x': x, 'y': y,
        'wq_feat': lin(ks[2], C, C), 'wq_dir': lin(ks[3], C, C),
        'wk_feat': lin(ks[4], C, 2 * C), 'wk_dir': lin(ks[5], C, 2 * C),
        'wv_feat': lin(ks[6], C, 2 * C), 'wv_dir': lin(ks[7], C, 2 * C),
    }


def reference(x, y, wq_feat, wq_dir, wk_feat, wk_dir, wv_feat, wv_dir):
    Qx = channel_equi_vec_normalize(vn_linear_leaky_relu(x, wq_feat, wq_dir))  # [B,C,3,N]
    yg = get_graph_feature(y, K_NN)  # [B,2C,3,N,k]
    Ky = channel_equi_vec_normalize(vn_linear_leaky_relu(yg, wk_feat, wk_dir))  # [B,C,3,N,k]
    Vy = vn_linear_leaky_relu(yg, wv_feat, wv_dir)  # [B,C,3,N,k]
    qk = jnp.sum(Ky * Qx[..., None], axis=2)  # [B,C,N,k]
    B, C, N, K = qk.shape
    n_head = C // MULTI_HEAD_C
    qk = qk.reshape(B, n_head, MULTI_HEAD_C, N, K)
    atten = jnp.sum(qk, axis=2, keepdims=True) / jnp.sqrt(jnp.asarray(3 * MULTI_HEAD_C, jnp.float32))
    atten = jax.nn.softmax(atten, axis=-1)
    atten = jnp.broadcast_to(atten, (B, n_head, MULTI_HEAD_C, N, K)).reshape(B, C, N, K)[:, :, None, :, :]
    return x + jnp.sum(atten * Vy, axis=-1)

if __name__ == "__main__":
    import jax
    _d = setup_inputs()
    print(jax.jit(kernel)(*tuple(_d.values())))

</pallas_src>

<mosaic_0001>
#map = affine_map<(d0, d1) -> (0, 0)>
#map1 = affine_map<(d0, d1) -> (0)>
module attributes {stable_mosaic.version = 14 : i64} {
  func.func @_sc_gather_body(%arg0: i32, %arg1: i32, %arg2: memref<8192x64xf32, #tpu.memory_space<hbm>>, %arg3: memref<8192x64xf32, #tpu.memory_space<hbm>>, %arg4: memref<8192x64xf32, #tpu.memory_space<hbm>>, %arg5: memref<131072xi32, #tpu.memory_space<hbm>>, %arg6: memref<131072x64xf32, #tpu.memory_space<hbm>>, %arg7: memref<131072x64xf32, #tpu.memory_space<hbm>>, %arg8: memref<131072x64xf32, #tpu.memory_space<hbm>>, %arg9: memref<128xi32, #tpu.memory_space<vmem>>, %arg10: memref<128xi32, #tpu.memory_space<vmem>>, %arg11: memref<128x64xf32, #tpu.memory_space<vmem>>, %arg12: memref<128x64xf32, #tpu.memory_space<vmem>>, %arg13: memref<128x64xf32, #tpu.memory_space<vmem>>, %arg14: memref<128x64xf32, #tpu.memory_space<vmem>>, %arg15: memref<128x64xf32, #tpu.memory_space<vmem>>, %arg16: memref<128x64xf32, #tpu.memory_space<vmem>>, %arg17: memref<!tpu.dma_semaphore, #tpu.memory_space<semaphore_mem>>, %arg18: memref<!tpu.dma_semaphore, #tpu.memory_space<semaphore_mem>>) attributes {dimension_semantics = [#tpu.dimension_semantics<core_parallel>, #tpu.dimension_semantics<subcore_parallel>], iteration_bounds = array<i64: 2, 16>, scalar_prefetch = 0 : i64, scratch_operands = 10 : i64, tpu.core_type = #tpu.core_type<sc_vector_subcore>, window_params = [{transform_indices = #map}, {transform_indices = #map}, {transform_indices = #map}, {transform_indices = #map1}, {transform_indices = #map}, {transform_indices = #map}, {transform_indices = #map}]} {
    %mul3A = arith.constant 2 : i32
    %mul3A_0 = arith.muli %arg1, %mul3A : i32
    %add3A = arith.addi %mul3A_0, %arg0 : i32
    %mul3A_1 = arith.constant 4096 : i32
    %mul3A_2 = arith.muli %add3A, %mul3A_1 : i32
    %add3A_3 = arith.constant 0 : i32
    %add3A_4 = arith.addi %mul3A_2, %add3A_3 : i32
    %multiple_of3A = tpu.assume_multiple %add3A_4, 128 : i32
    "tpu.region"() ({
      %run_scoped3A = tpu.sem_alloc : memref<!tpu.dma_semaphore, #tpu.memory_space<semaphore_mem>>
      %dma_start3A_18 = tpu.memref_slice %arg5[%multiple_of3A] : memref<131072xi32, #tpu.memory_space<hbm>> -> memref<128xi32, #tpu.memory_space<hbm>>
      %dma_start3A_19 = tpu.memref_slice %arg5[%multiple_of3A] : memref<131072xi32, #tpu.memory_space<hbm>> -> memref<128xi32, #tpu.memory_space<hbm>>
      tpu.enqueue_dma source(%dma_start3A_19 : memref<128xi32, #tpu.memory_space<hbm>>) target(%arg9 : memref<128xi32, #tpu.memory_space<vmem>>) target_semaphore(%run_scoped3A : memref<!tpu.dma_semaphore, #tpu.memory_space<semaphore_mem>>)
      %dma_wait3A = tpu.memref_slice %arg5[%multiple_of3A] : memref<131072xi32, #tpu.memory_space<hbm>> -> memref<128xi32, #tpu.memory_space<hbm>>
      %dma_wait3A_20 = tpu.memref_slice %arg5[%multiple_of3A] : memref<131072xi32, #tpu.memory_space<hbm>> -> memref<128xi32, #tpu.memory_space<hbm>>
      tpu.wait_dma2 semaphore(%run_scoped3A : memref<!tpu.dma_semaphore, #tpu.memory_space<semaphore_mem>>) src(%dma_wait3A_20 : memref<128xi32, #tpu.memory_space<hbm>>) dst(%arg9 : memref<128xi32, #tpu.memory_space<vmem>>)
      tpu.yield
    }) : () -> ()
    %dma_start3A = arith.constant 0 : i32
    %dma_start3A_5 = arith.constant 0 : i32
    %dma_start3A_6 = tpu.memref_slice %arg2[%dma_start3A, %dma_start3A_5] : memref<8192x64xf32, #tpu.memory_space<hbm>> -> memref<8192x64xf32, #tpu.memory_space<hbm>>
    tpu.enqueue_indirect_dma source(%dma_start3A_6 : memref<8192x64xf32, #tpu.memory_space<hbm>>) target(%arg11 : memref<128x64xf32, #tpu.memory_space<vmem>>) offsets(%arg9 : memref<128xi32, #tpu.memory_space<vmem>>) semaphore(%arg17 : memref<!tpu.dma_semaphore, #tpu.memory_space<semaphore_mem>>)
    %dma_start3A_7 = arith.constant 0 : i32
    %dma_start3A_8 = arith.constant 0 : i32
    %dma_start3A_9 = tpu.memref_slice %arg3[%dma_start3A_7, %dma_start3A_8] : memref<8192x64xf32, #tpu.memory_space<hbm>> -> memref<8192x64xf32, #tpu.memory_space<hbm>>
    tpu.enqueue_indirect_dma source(%dma_start3A_9 : memref<8192x64xf32, #tpu.memory_space<hbm>>) target(%arg12 : memref<128x64xf32, #tpu.memory_space<vmem>>) offsets(%arg9 : memref<128xi32, #tpu.memory_space<vmem>>) semaphore(%arg17 : memref<!tpu.dma_semaphore, #tpu.memory_space<semaphore_mem>>)
    %dma_start3A_10 = arith.constant 0 : i32
    %dma_start3A_11 = arith.constant 0 : i32
    %dma_start3A_12 = tpu.memref_slice %arg4[%dma_start3A_10, %dma_start3A_11] : memref<8192x64xf32, #tpu.memory_space<hbm>> -> memref<8192x64xf32, #tpu.memory_space<hbm>>
    tpu.enqueue_indirect_dma source(%dma_start3A_12 : memref<8192x64xf32, #tpu.memory_space<hbm>>) target(%arg13 : memref<128x64xf32, #tpu.memory_space<vmem>>) offsets(%arg9 : memref<128xi32, #tpu.memory_space<vmem>>) semaphore(%arg17 : memref<!tpu.dma_semaphore, #tpu.memory_space<semaphore_mem>>)
    %scan3A = arith.constant 0 : i32
    %scan3A_13 = arith.constant 0 : i32
    %scan3A_14 = arith.constant 16 : i32
    %scan3A_15 = arith.addi %scan3A_13, %scan3A_14 : i32
    %scan3A_16 = arith.constant 1 : i32
    scf.for %scan3A_18 = %scan3A_13 to %scan3A_15 step %scan3A_16  : i32 {
      %mul3A_19 = arith.constant 2 : i32
      %mul3A_20 = arith.muli %mul3A_19, %scan3A_18 : i32
      %add3A_21 = arith.constant 1 : i32
      %add3A_22 = arith.addi %mul3A_20, %add3A_21 : i32
      %mul3A_23 = arith.constant 128 : i32
      %mul3A_24 = arith.muli %add3A_22, %mul3A_23 : i32
      %add3A_25 = arith.addi %mul3A_2, %mul3A_24 : i32
      %multiple_of3A_26 = tpu.assume_multiple %add3A_25, 128 : i32
      "tpu.region"() ({
        %run_scoped3A = tpu.sem_alloc : memref<!tpu.dma_semaphore, #tpu.memory_space<semaphore_mem>>
        %dma_start3A_87 = tpu.memref_slice %arg5[%multiple_of3A_26] : memref<131072xi32, #tpu.memory_space<hbm>> -> memref<128xi32, #tpu.memory_space<hbm>>
        %dma_start3A_88 = tpu.memref_slice %arg5[%multiple_of3A_26] : memref<131072xi32, #tpu.memory_space<hbm>> -> memref<128xi32, #tpu.memory_space<hbm>>
        tpu.enqueue_dma source(%dma_start3A_88 : memref<128xi32, #tpu.memory_space<hbm>>) target(%arg10 : memref<128xi32, #tpu.memory_space<vmem>>) target_semaphore(%run_scoped3A : memref<!tpu.dma_semaphore, #tpu.memory_space<semaphore_mem>>)
        %dma_wait3A_89 = tpu.memref_slice %arg5[%multiple_of3A_26] : memref<131072xi32, #tpu.memory_space<hbm>> -> memref<128xi32, #tpu.memory_space<hbm>>
        %dma_wait3A_90 = tpu.memref_slice %arg5[%multiple_of3A_26] : memref<131072xi32, #tpu.memory_space<hbm>> -> memref<128xi32, #tpu.memory_space<hbm>>
        tpu.wait_dma2 semaphore(%run_scoped3A : memref<!tpu.dma_semaphore, #tpu.memory_space<semaphore_mem>>) src(%dma_wait3A_90 : memref<128xi32, #tpu.memory_space<hbm>>) dst(%arg10 : memref<128xi32, #tpu.memory_space<vmem>>)
        tpu.yield
      }) : () -> ()
      %dma_start3A_27 = arith.constant 0 : i32
      %dma_start3A_28 = arith.constant 0 : i32
      %dma_start3A_29 = tpu.memref_slice %arg2[%dma_start3A_27, %dma_start3A_28] : memref<8192x64xf32, #tpu.memory_space<hbm>> -> memref<8192x64xf32, #tpu.memory_space<hbm>>
      tpu.enqueue_indirect_dma source(%dma_start3A_29 : memref<8192x64xf32, #tpu.memory_space<hbm>>) target(%arg14 : memref<128x64xf32, #tpu.memory_space<vmem>>) offsets(%arg10 : memref<128xi32, #tpu.memory_space<vmem>>) semaphore(%arg18 : memref<!tpu.dma_semaphore, #tpu.memory_space<semaphore_mem>>)
      %dma_start3A_30 = arith.constant 0 : i32
      %dma_start3A_31 = arith.constant 0 : i32
      %dma_start3A_32 = tpu.memref_slice %arg3[%dma_start3A_30, %dma_start3A_31] : memref<8192x64xf32, #tpu.memory_space<hbm>> -> memref<8192x64xf32, #tpu.memory_space<hbm>>
      tpu.enqueue_indirect_dma source(%dma_start3A_32 : memref<8192x64xf32, #tpu.memory_space<hbm>>) target(%arg15 : memref<128x64xf32, #tpu.memory_space<vmem>>) offsets(%arg10 : memref<128xi32, #tpu.memory_space<vmem>>) semaphore(%arg18 : memref<!tpu.dma_semaphore, #tpu.memory_space<semaphore_mem>>)
      %dma_start3A_33 = arith.constant 0 : i32
      %dma_start3A_34 = arith.constant 0 : i32
      %dma_start3A_35 = tpu.memref_slice %arg4[%dma_start3A_33, %dma_start3A_34] : memref<8192x64xf32, #tpu.memory_space<hbm>> -> memref<8192x64xf32, #tpu.memory_space<hbm>>
      tpu.enqueue_indirect_dma source(%dma_start3A_35 : memref<8192x64xf32, #tpu.memory_space<hbm>>) target(%arg16 : memref<128x64xf32, #tpu.memory_space<vmem>>) offsets(%arg10 : memref<128xi32, #tpu.memory_space<vmem>>) semaphore(%arg18 : memref<!tpu.dma_semaphore, #tpu.memory_space<semaphore_mem>>)
      %mul3A_36 = arith.constant 2 : i32
      %mul3A_37 = arith.muli %mul3A_36, %scan3A_18 : i32
      %dma_wait3A = arith.constant 0 : i32
      %dma_wait3A_38 = arith.constant 0 : i32
      %dma_wait3A_39 = tpu.memref_slice %arg2[%dma_wait3A, %dma_wait3A_38] : memref<8192x64xf32, #tpu.memory_space<hbm>> -> memref<8192x64xf32, #tpu.memory_space<hbm>>
      tpu.wait_indirect_dma semaphore(%arg17 : memref<!tpu.dma_semaphore, #tpu.memory_space<semaphore_mem>>) src(%dma_wait3A_39 : memref<8192x64xf32, #tpu.memory_space<hbm>>) dst(%arg11 : memref<128x64xf32, #tpu.memory_space<vmem>>)
      %dma_wait3A_40 = arith.constant 0 : i32
      %dma_wait3A_41 = arith.constant 0 : i32
      %dma_wait3A_42 = tpu.memref_slice %arg3[%dma_wait3A_40, %dma_wait3A_41] : memref<8192x64xf32, #tpu.memory_space<hbm>> -> memref<8192x64xf32, #tpu.memory_space<hbm>>
      tpu.wait_indirect_dma semaphore(%arg17 : memref<!tpu.dma_semaphore, #tpu.memory_space<semaphore_mem>>) src(%dma_wait3A_42 : memref<8192x64xf32, #tpu.memory_space<hbm>>) dst(%arg12 : memref<128x64xf32, #tpu.memory_space<vmem>>)
      %dma_wait3A_43 = arith.constant 0 : i32
      %dma_wait3A_44 = arith.constant 0 : i32
      %dma_wait3A_45 = tpu.memref_slice %arg4[%dma_wait3A_43, %dma_wait3A_44] : memref<8192x64xf32, #tpu.memory_space<hbm>> -> memref<8192x64xf32, #tpu.memory_space<hbm>>
      tpu.wait_indirect_dma semaphore(%arg17 : memref<!tpu.dma_semaphore, #tpu.memory_space<semaphore_mem>>) src(%dma_wait3A_45 : memref<8192x64xf32, #tpu.memory_space<hbm>>) dst(%arg13 : memref<128x64xf32, #tpu.memory_space<vmem>>)
      %mul3A_46 = arith.constant 128 : i32
      %mul3A_47 = arith.muli %mul3A_37, %mul3A_46 : i32
      %add3A_48 = arith.addi %mul3A_2, %mul3A_47 : i32
      %multiple_of3A_49 = tpu.assume_multiple %add3A_48, 128 : i32
      "tpu.region"() ({
        %run_scoped3A = tpu.sem_alloc : memref<!tpu.dma_semaphore, #tpu.memory_space<semaphore_mem>>
        %dma_start3A_87 = arith.constant 0 : i32
        %dma_start3A_88 = tpu.memref_slice %arg6[%multiple_of3A_49, %dma_start3A_87] : memref<131072x64xf32, #tpu.memory_space<hbm>> -> memref<128x64xf32, #tpu.memory_space<hbm>>
        %dma_start3A_89 = arith.constant 0 : i32
        %dma_start3A_90 = tpu.memref_slice %arg6[%multiple_of3A_49, %dma_start3A_89] : memref<131072x64xf32, #tpu.memory_space<hbm>> -> memref<128x64xf32, #tpu.memory_space<hbm>>
        tpu.enqueue_dma source(%arg11 : memref<128x64xf32, #tpu.memory_space<vmem>>) target(%dma_start3A_90 : memref<128x64xf32, #tpu.memory_space<hbm>>) target_semaphore(%run_scoped3A : memref<!tpu.dma_semaphore, #tpu.memory_space<semaphore_mem>>)
        %dma_wait3A_91 = arith.constant 0 : i32
        %dma_wait3A_92 = tpu.memref_slice %arg6[%multiple_of3A_49, %dma_wait3A_91] : memref<131072x64xf32, #tpu.memory_space<hbm>> -> memref<128x64xf32, #tpu.memory_space<hbm>>
        %dma_wait3A_93 = arith.constant 0 : i32
        %dma_wait3A_94 = tpu.memref_slice %arg6[%multiple_of3A_49, %dma_wait3A_93] : memref<131072x64xf32, #tpu.memory_space<hbm>> -> memref<128x64xf32, #tpu.memory_space<hbm>>
        tpu.wait_dma2 semaphore(%run_scoped3A : memref<!tpu.dma_semaphore, #tpu.memory_space<semaphore_mem>>) src(%arg11 : memref<128x64xf32, #tpu.memory_space<vmem>>) dst(%dma_wait3A_94 : memref<128x64xf32, #tpu.memory_space<hbm>>)
        tpu.yield
      }) : () -> ()
      %mul3A_50 = arith.constant 128 : i32
      %mul3A_51 = arith.muli %mul3A_37, %mul3A_50 : i32
      %add3A_52 = arith.addi %mul3A_2, %mul3A_51 : i32
      %multiple_of3A_53 = tpu.assume_multiple %add3A_52, 128 : i32
      "tpu.region"() ({
        %run_scoped3A = tpu.sem_alloc : memref<!tpu.dma_semaphore, #tpu.memory_space<semaphore_mem>>
        %dma_start3A_87 = arith.constant 0 : i32
        %dma_start3A_88 = tpu.memref_slice %arg7[%multiple_of3A_53, %dma_start3A_87] : memref<131072x64xf32, #tpu.memory_space<hbm>> -> memref<128x64xf32, #tpu.memory_space<hbm>>
        %dma_start3A_89 = arith.constant 0 : i32
        %dma_start3A_90 = tpu.memref_slice %arg7[%multiple_of3A_53, %dma_start3A_89] : memref<131072x64xf32, #tpu.memory_space<hbm>> -> memref<128x64xf32, #tpu.memory_space<hbm>>
        tpu.enqueue_dma source(%arg12 : memref<128x64xf32, #tpu.memory_space<vmem>>) target(%dma_start3A_90 : memref<128x64xf32, #tpu.memory_space<hbm>>) target_semaphore(%run_scoped3A : memref<!tpu.dma_semaphore, #tpu.memory_space<semaphore_mem>>)
        %dma_wait3A_91 = arith.constant 0 : i32
        %dma_wait3A_92 = tpu.memref_slice %arg7[%multiple_of3A_53, %dma_wait3A_91] : memref<131072x64xf32, #tpu.memory_space<hbm>> -> memref<128x64xf32, #tpu.memory_space<hbm>>
        %dma_wait3A_93 = arith.constant 0 : i32
        %dma_wait3A_94 = tpu.memref_slice %arg7[%multiple_of3A_53, %dma_wait3A_93] : memref<131072x64xf32, #tpu.memory_space<hbm>> -> memref<128x64xf32, #tpu.memory_space<hbm>>
        tpu.wait_dma2 semaphore(%run_scoped3A : memref<!tpu.dma_semaphore, #tpu.memory_space<semaphore_mem>>) src(%arg12 : memref<128x64xf32, #tpu.memory_space<vmem>>) dst(%dma_wait3A_94 : memref<128x64xf32, #tpu.memory_space<hbm>>)
        tpu.yield
      }) : () -> ()
      %mul3A_54 = arith.constant 128 : i32
      %mul3A_55 = arith.muli %mul3A_37, %mul3A_54 : i32
      %add3A_56 = arith.addi %mul3A_2, %mul3A_55 : i32
      %multiple_of3A_57 = tpu.assume_multiple %add3A_56, 128 : i32
      "tpu.region"() ({
        %run_scoped3A = tpu.sem_alloc : memref<!tpu.dma_semaphore, #tpu.memory_space<semaphore_mem>>
        %dma_start3A_87 = arith.constant 0 : i32
        %dma_start3A_88 = tpu.memref_slice %arg8[%multiple_of3A_57, %dma_start3A_87] : memref<131072x64xf32, #tpu.memory_space<hbm>> -> memref<128x64xf32, #tpu.memory_space<hbm>>
        %dma_start3A_89 = arith.constant 0 : i32
        %dma_start3A_90 = tpu.memref_slice %arg8[%multiple_of3A_57, %dma_start3A_89] : memref<131072x64xf32, #tpu.memory_space<hbm>> -> memref<128x64xf32, #tpu.memory_space<hbm>>
        tpu.enqueue_dma source(%arg13 : memref<128x64xf32, #tpu.memory_space<vmem>>) target(%dma_start3A_90 : memref<128x64xf32, #tpu.memory_space<hbm>>) target_semaphore(%run_scoped3A : memref<!tpu.dma_semaphore, #tpu.memory_space<semaphore_mem>>)
        %dma_wait3A_91 = arith.constant 0 : i32
        %dma_wait3A_92 = tpu.memref_slice %arg8[%multiple_of3A_57, %dma_wait3A_91] : memref<131072x64xf32, #tpu.memory_space<hbm>> -> memref<128x64xf32, #tpu.memory_space<hbm>>
        %dma_wait3A_93 = arith.constant 0 : i32
        %dma_wait3A_94 = tpu.memref_slice %arg8[%multiple_of3A_57, %dma_wait3A_93] : memref<131072x64xf32, #tpu.memory_space<hbm>> -> memref<128x64xf32, #tpu.memory_space<hbm>>
        tpu.wait_dma2 semaphore(%run_scoped3A : memref<!tpu.dma_semaphore, #tpu.memory_space<semaphore_mem>>) src(%arg13 : memref<128x64xf32, #tpu.memory_space<vmem>>) dst(%dma_wait3A_94 : memref<128x64xf32, #tpu.memory_space<hbm>>)
        tpu.yield
      }) : () -> ()
      %add3A_58 = arith.constant 1 : i32
      %add3A_59 = arith.addi %scan3A_18, %add3A_58 : i32
      %lt3A = arith.constant 16 : i32
      %lt3A_60 = arith.cmpi slt, %add3A_59, %lt3A : i32
      %convert_element_type3A = arith.extui %lt3A_60 : i1 to i32
      %cond3A = arith.constant 0 : i32
      %cond3A_61 = arith.cmpi ne, %convert_element_type3A, %cond3A : i32
      scf.if %cond3A_61 {
        %mul3A_87 = arith.constant 2 : i32
        %mul3A_88 = arith.muli %mul3A_87, %scan3A_18 : i32
        %add3A_89 = arith.constant 2 : i32
        %add3A_90 = arith.addi %mul3A_88, %add3A_89 : i32
        %mul3A_91 = arith.constant 128 : i32
        %mul3A_92 = arith.muli %add3A_90, %mul3A_91 : i32
        %add3A_93 = arith.addi %mul3A_2, %mul3A_92 : i32
        %multiple_of3A_94 = tpu.assume_multiple %add3A_93, 128 : i32
        "tpu.region"() ({
          %run_scoped3A = tpu.sem_alloc : memref<!tpu.dma_semaphore, #tpu.memory_space<semaphore_mem>>
          %dma_start3A_104 = tpu.memref_slice %arg5[%multiple_of3A_94] : memref<131072xi32, #tpu.memory_space<hbm>> -> memref<128xi32, #tpu.memory_space<hbm>>
          %dma_start3A_105 = tpu.memref_slice %arg5[%multiple_of3A_94] : memref<131072xi32, #tpu.memory_space<hbm>> -> memref<128xi32, #tpu.memory_space<hbm>>
          tpu.enqueue_dma source(%dma_start3A_105 : memref<128xi32, #tpu.memory_space<hbm>>) target(%arg9 : memref<128xi32, #tpu.memory_space<vmem>>) target_semaphore(%run_scoped3A : memref<!tpu.dma_semaphore, #tpu.memory_space<semaphore_mem>>)
          %dma_wait3A_106 = tpu.memref_slice %arg5[%multiple_of3A_94] : memref<131072xi32, #tpu.memory_space<hbm>> -> memref<128xi32, #tpu.memory_space<hbm>>
          %dma_wait3A_107 = tpu.memref_slice %arg5[%multiple_of3A_94] : memref<131072xi32, #tpu.memory_space<hbm>> -> memref<128xi32, #tpu.memory_space<hbm>>
          tpu.wait_dma2 semaphore(%run_scoped3A : memref<!tpu.dma_semaphore, #tpu.memory_space<semaphore_mem>>) src(%dma_wait3A_107 : memref<128xi32, #tpu.memory_space<hbm>>) dst(%arg9 : memref<128xi32, #tpu.memory_space<vmem>>)
          tpu.yield
        }) : () -> ()
        %dma_start3A_95 = arith.constant 0 : i32
        %dma_start3A_96 = arith.constant 0 : i32
        %dma_start3A_97 = tpu.memref_slice %arg2[%dma_start3A_95, %dma_start3A_96] : memref<8192x64xf32, #tpu.memory_space<hbm>> -> memref<8192x64xf32, #tpu.memory_space<hbm>>
        tpu.enqueue_indirect_dma source(%dma_start3A_97 : memref<8192x64xf32, #tpu.memory_space<hbm>>) target(%arg11 : memref<128x64xf32, #tpu.memory_space<vmem>>) offsets(%arg9 : memref<128xi32, #tpu.memory_space<vmem>>) semaphore(%arg17 : memref<!tpu.dma_semaphore, #tpu.memory_space<semaphore_mem>>)
        %dma_start3A_98 = arith.constant 0 : i32
        %dma_start3A_99 = arith.constant 0 : i32
        %dma_start3A_100 = tpu.memref_slice %arg3[%dma_start3A_98, %dma_start3A_99] : memref<8192x64xf32, #tpu.memory_space<hbm>> -> memref<8192x64xf32, #tpu.memory_space<hbm>>
        tpu.enqueue_indirect_dma source(%dma_start3A_100 : memref<8192x64xf32, #tpu.memory_space<hbm>>) target(%arg12 : memref<128x64xf32, #tpu.memory_space<vmem>>) offsets(%arg9 : memref<128xi32, #tpu.memory_space<vmem>>) semaphore(%arg17 : memref<!tpu.dma_semaphore, #tpu.memory_space<semaphore_mem>>)
        %dma_start3A_101 = arith.constant 0 : i32
        %dma_start3A_102 = arith.constant 0 : i32
        %dma_start3A_103 = tpu.memref_slice %arg4[%dma_start3A_101, %dma_start3A_102] : memref<8192x64xf32, #tpu.memory_space<hbm>> -> memref<8192x64xf32, #tpu.memory_space<hbm>>
        tpu.enqueue_indirect_dma source(%dma_start3A_103 : memref<8192x64xf32, #tpu.memory_space<hbm>>) target(%arg13 : memref<128x64xf32, #tpu.memory_space<vmem>>) offsets(%arg9 : memref<128xi32, #tpu.memory_space<vmem>>) semaphore(%arg17 : memref<!tpu.dma_semaphore, #tpu.memory_space<semaphore_mem>>)
      } else {
      }
      %mul3A_62 = arith.constant 2 : i32
      %mul3A_63 = arith.muli %mul3A_62, %scan3A_18 : i32
      %add3A_64 = arith.constant 1 : i32
      %add3A_65 = arith.addi %mul3A_63, %add3A_64 : i32
      %dma_wait3A_66 = arith.constant 0 : i32
      %dma_wait3A_67 = arith.constant 0 : i32
      %dma_wait3A_68 = tpu.memref_slice %arg2[%dma_wait3A_66, %dma_wait3A_67] : memref<8192x64xf32, #tpu.memory_space<hbm>> -> memref<8192x64xf32, #tpu.memory_space<hbm>>
      tpu.wait_indirect_dma semaphore(%arg18 : memref<!tpu.dma_semaphore, #tpu.memory_space<semaphore_mem>>) src(%dma_wait3A_68 : memref<8192x64xf32, #tpu.memory_space<hbm>>) dst(%arg14 : memref<128x64xf32, #tpu.memory_space<vmem>>)
      %dma_wait3A_69 = arith.constant 0 : i32
      %dma_wait3A_70 = arith.constant 0 : i32
      %dma_wait3A_71 = tpu.memref_slice %arg3[%dma_wait3A_69, %dma_wait3A_70] : memref<8192x64xf32, #tpu.memory_space<hbm>> -> memref<8192x64xf32, #tpu.memory_space<hbm>>
      tpu.wait_indirect_dma semaphore(%arg18 : memref<!tpu.dma_semaphore, #tpu.memory_space<semaphore_mem>>) src(%dma_wait3A_71 : memref<8192x64xf32, #tpu.memory_space<hbm>>) dst(%arg15 : memref<128x64xf32, #tpu.memory_space<vmem>>)
      %dma_wait3A_72 = arith.constant 0 : i32
      %dma_wait3A_73 = arith.constant 0 : i32
      %dma_wait3A_74 = tpu.memref_slice %arg4[%dma_wait3A_72, %dma_wait3A_73] : memref<8192x64xf32, #tpu.memory_space<hbm>> -> memref<8192x64xf32, #tpu.memory_space<hbm>>
      tpu.wait_indirect_dma semaphore(%arg18 : memref<!tpu.dma_semaphore, #tpu.memory_space<semaphore_mem>>) src(%dma_wait3A_74 : memref<8192x64xf32, #tpu.memory_space<hbm>>) dst(%arg16 : memref<128x64xf32, #tpu.memory_space<vmem>>)
      %mul3A_75 = arith.constant 128 : i32
      %mul3A_76 = arith.muli %add3A_65, %mul3A_75 : i32
      %add3A_77 = arith.addi %mul3A_2, %mul3A_76 : i32
      %multiple_of3A_78 = tpu.assume_multiple %add3A_77, 128 : i32
      "tpu.region"() ({
        %run_scoped3A = tpu.sem_alloc : memref<!tpu.dma_semaphore, #tpu.memory_space<semaphore_mem>>
        %dma_start3A_87 = arith.constant 0 : i32
        %dma_start3A_88 = tpu.memref_slice %arg6[%multiple_of3A_78, %dma_start3A_87] : memref<131072x64xf32, #tpu.memory_space<hbm>> -> memref<128x64xf32, #tpu.memory_space<hbm>>
        %dma_start3A_89 = arith.constant 0 : i32
        %dma_start3A_90 = tpu.memref_slice %arg6[%multiple_of3A_78, %dma_start3A_89] : memref<131072x64xf32, #tpu.memory_space<hbm>> -> memref<128x64xf32, #tpu.memory_space<hbm>>
        tpu.enqueue_dma source(%arg14 : memref<128x64xf32, #tpu.memory_space<vmem>>) target(%dma_start3A_90 : memref<128x64xf32, #tpu.memory_space<hbm>>) target_semaphore(%run_scoped3A : memref<!tpu.dma_semaphore, #tpu.memory_space<semaphore_mem>>)
        %dma_wait3A_91 = arith.constant 0 : i32
        %dma_wait3A_92 = tpu.memref_slice %arg6[%multiple_of3A_78, %dma_wait3A_91] : memref<131072x64xf32, #tpu.memory_space<hbm>> -> memref<128x64xf32, #tpu.memory_space<hbm>>
        %dma_wait3A_93 = arith.constant 0 : i32
        %dma_wait3A_94 = tpu.memref_slice %arg6[%multiple_of3A_78, %dma_wait3A_93] : memref<131072x64xf32, #tpu.memory_space<hbm>> -> memref<128x64xf32, #tpu.memory_space<hbm>>
        tpu.wait_dma2 semaphore(%run_scoped3A : memref<!tpu.dma_semaphore, #tpu.memory_space<semaphore_mem>>) src(%arg14 : memref<128x64xf32, #tpu.memory_space<vmem>>) dst(%dma_wait3A_94 : memref<128x64xf32, #tpu.memory_space<hbm>>)
        tpu.yield
      }) : () -> ()
      %mul3A_79 = arith.constant 128 : i32
      %mul3A_80 = arith.muli %add3A_65, %mul3A_79 : i32
      %add3A_81 = arith.addi %mul3A_2, %mul3A_80 : i32
      %multiple_of3A_82 = tpu.assume_multiple %add3A_81, 128 : i32
      "tpu.region"() ({
        %run_scoped3A = tpu.sem_alloc : memref<!tpu.dma_semaphore, #tpu.memory_space<semaphore_mem>>
        %dma_start3A_87 = arith.constant 0 : i32
        %dma_start3A_88 = tpu.memref_slice %arg7[%multiple_of3A_82, %dma_start3A_87] : memref<131072x64xf32, #tpu.memory_space<hbm>> -> memref<128x64xf32, #tpu.memory_space<hbm>>
        %dma_start3A_89 = arith.constant 0 : i32
        %dma_start3A_90 = tpu.memref_slice %arg7[%multiple_of3A_82, %dma_start3A_89] : memref<131072x64xf32, #tpu.memory_space<hbm>> -> memref<128x64xf32, #tpu.memory_space<hbm>>
        tpu.enqueue_dma source(%arg15 : memref<128x64xf32, #tpu.memory_space<vmem>>) target(%dma_start3A_90 : memref<128x64xf32, #tpu.memory_space<hbm>>) target_semaphore(%run_scoped3A : memref<!tpu.dma_semaphore, #tpu.memory_space<semaphore_mem>>)
        %dma_wait3A_91 = arith.constant 0 : i32
        %dma_wait3A_92 = tpu.memref_slice %arg7[%multiple_of3A_82, %dma_wait3A_91] : memref<131072x64xf32, #tpu.memory_space<hbm>> -> memref<128x64xf32, #tpu.memory_space<hbm>>
        %dma_wait3A_93 = arith.constant 0 : i32
        %dma_wait3A_94 = tpu.memref_slice %arg7[%multiple_of3A_82, %dma_wait3A_93] : memref<131072x64xf32, #tpu.memory_space<hbm>> -> memref<128x64xf32, #tpu.memory_space<hbm>>
        tpu.wait_dma2 semaphore(%run_scoped3A : memref<!tpu.dma_semaphore, #tpu.memory_space<semaphore_mem>>) src(%arg15 : memref<128x64xf32, #tpu.memory_space<vmem>>) dst(%dma_wait3A_94 : memref<128x64xf32, #tpu.memory_space<hbm>>)
        tpu.yield
      }) : () -> ()
      %mul3A_83 = arith.constant 128 : i32
      %mul3A_84 = arith.muli %add3A_65, %mul3A_83 : i32
      %add3A_85 = arith.addi %mul3A_2, %mul3A_84 : i32
      %multiple_of3A_86 = tpu.assume_multiple %add3A_85, 128 : i32
      "tpu.region"() ({
        %run_scoped3A = tpu.sem_alloc : memref<!tpu.dma_semaphore, #tpu.memory_space<semaphore_mem>>
        %dma_start3A_87 = arith.constant 0 : i32
        %dma_start3A_88 = tpu.memref_slice %arg8[%multiple_of3A_86, %dma_start3A_87] : memref<131072x64xf32, #tpu.memory_space<hbm>> -> memref<128x64xf32, #tpu.memory_space<hbm>>
        %dma_start3A_89 = arith.constant 0 : i32
        %dma_start3A_90 = tpu.memref_slice %arg8[%multiple_of3A_86, %dma_start3A_89] : memref<131072x64xf32, #tpu.memory_space<hbm>> -> memref<128x64xf32, #tpu.memory_space<hbm>>
        tpu.enqueue_dma source(%arg16 : memref<128x64xf32, #tpu.memory_space<vmem>>) target(%dma_start3A_90 : memref<128x64xf32, #tpu.memory_space<hbm>>) target_semaphore(%run_scoped3A : memref<!tpu.dma_semaphore, #tpu.memory_space<semaphore_mem>>)
        %dma_wait3A_91 = arith.constant 0 : i32
        %dma_wait3A_92 = tpu.memref_slice %arg8[%multiple_of3A_86, %dma_wait3A_91] : memref<131072x64xf32, #tpu.memory_space<hbm>> -> memref<128x64xf32, #tpu.memory_space<hbm>>
        %dma_wait3A_93 = arith.constant 0 : i32
        %dma_wait3A_94 = tpu.memref_slice %arg8[%multiple_of3A_86, %dma_wait3A_93] : memref<131072x64xf32, #tpu.memory_space<hbm>> -> memref<128x64xf32, #tpu.memory_space<hbm>>
        tpu.wait_dma2 semaphore(%run_scoped3A : memref<!tpu.dma_semaphore, #tpu.memory_space<semaphore_mem>>) src(%arg16 : memref<128x64xf32, #tpu.memory_space<vmem>>) dst(%dma_wait3A_94 : memref<128x64xf32, #tpu.memory_space<hbm>>)
        tpu.yield
      }) : () -> ()
    }
    %scan3A_17 = arith.constant 16 : i32
    return
  }
}

module attributes {stable_mosaic.version = 14 : i64} {
  func.func @_knn_body(%arg0: i32, %arg1: i32, %arg2: memref<1x192x1024xf32, #tpu.memory_space<vmem>>, %arg3: memref<1x192x2048xf32, #tpu.memory_space<vmem>>, %arg4: memref<1x1024x16xi32, #tpu.memory_space<vmem>>) attributes {dimension_semantics = [#tpu.dimension_semantics<arbitrary>, #tpu.dimension_semantics<arbitrary>], iteration_bounds = array<i64: 4, 2>, scalar_prefetch = 0 : i64, scratch_operands = 0 : i64, tpu.core_type = #tpu.core_type<tc>, window_params = [{transform_indices = @transform_0, window_bounds = array<i64: 1, 192, 1024>}, {transform_indices = @transform_1, window_bounds = array<i64: 1, 192, 2048>}, {transform_indices = @transform_2, window_bounds = array<i64: 1, 1024, 16>}]} {
    %get3A = arith.constant 0 : index
    %get3A_0 = arith.constant 0 : index
    %get3A_1 = arith.constant 0 : index
    %get3A_2 = vector.load %arg2[%get3A, %get3A_0, %get3A_1] : memref<1x192x1024xf32, #tpu.memory_space<vmem>>, vector<1x192x1024xf32>
    %get3A_3 = vector.shape_cast %get3A_2 : vector<1x192x1024xf32> to vector<192x1024xf32>
    %get3A_4 = arith.constant 0 : index
    %get3A_5 = arith.constant 0 : index
    %get3A_6 = arith.constant 0 : index
    %get3A_7 = vector.load %arg3[%get3A_4, %get3A_5, %get3A_6] : memref<1x192x2048xf32, #tpu.memory_space<vmem>>, vector<1x192x2048xf32>
    %get3A_8 = vector.shape_cast %get3A_7 : vector<1x192x2048xf32> to vector<192x2048xf32>
    %dot_general3A = arith.constant dense<0.000000e+00> : vector<1024x2048xf32>
    %dot_general3A_9 = tpu.matmul %get3A_3, %get3A_8, %dot_general3A {dimension_numbers = #tpu.dot_dimension_numbers<[0], [0], [1], [1], [0, 1, 1, 1], [], []>, transpose_lhs_hint = false} : vector<192x1024xf32>, vector<192x2048xf32>, vector<1024x2048xf32> -> vector<1024x2048xf32>
    %mul3A = arith.mulf %get3A_3, %get3A_3 : vector<192x1024xf32>
    %reduce_sum3A = arith.constant dense<0.000000e+00> : vector<1024xf32>
    %reduce_sum3A_10 = vector.multi_reduction <add>, %mul3A, %reduce_sum3A [0] : vector<192x1024xf32> to vector<1024xf32>
    %broadcast_in_dim3A = vector.shape_cast %reduce_sum3A_10 : vector<1024xf32> to vector<1x1024xf32>
    %reshape3A = vector.shape_cast %broadcast_in_dim3A : vector<1x1024xf32> to vector<1024x1xf32>
    %mul3A_11 = arith.mulf %get3A_8, %get3A_8 : vector<192x2048xf32>
    %reduce_sum3A_12 = arith.constant dense<0.000000e+00> : vector<2048xf32>
    %reduce_sum3A_13 = vector.multi_reduction <add>, %mul3A_11, %reduce_sum3A_12 [0] : vector<192x2048xf32> to vector<2048xf32>
    %broadcast_in_dim3A_14 = vector.shape_cast %reduce_sum3A_13 : vector<2048xf32> to vector<1x2048xf32>
    %mul3A_15 = arith.constant 2.000000e+00 : f32
    %mul3A_16 = vector.broadcast %mul3A_15 : f32 to vector<1024x2048xf32>
    %mul3A_17 = arith.mulf %mul3A_16, %dot_general3A_9 : vector<1024x2048xf32>
    %sub3A = vector.broadcast %broadcast_in_dim3A_14 : vector<1x2048xf32> to vector<1024x2048xf32>
    %sub3A_18 = arith.subf %mul3A_17, %sub3A : vector<1024x2048xf32>
    %add3A = arith.constant 1.000000e+00 : f32
    %add3A_19 = vector.broadcast %add3A : f32 to vector<1024x1xf32>
    %add3A_20 = arith.addf %reshape3A, %add3A_19 : vector<1024x1xf32>
    %sub3A_21 = vector.broadcast %add3A_20 : vector<1024x1xf32> to vector<1024x2048xf32>
    %sub3A_22 = arith.subf %sub3A_18, %sub3A_21 : vector<1024x2048xf32>
    %bitcast_convert_type3A = tpu.bitcast %sub3A_22 : vector<1024x2048xf32> -> vector<1024x2048xi32>
    %iota3A = tpu.iota {dimensions = array<i32: 1>} : vector<1024x2048xi32>
    %and3A = arith.constant -2048 : i32
    %and3A_23 = vector.broadcast %and3A : i32 to vector<1024x2048xi32>
    %and3A_24 = arith.andi %bitcast_convert_type3A, %and3A_23 : vector<1024x2048xi32>
    %or3A = arith.ori %and3A_24, %iota3A : vector<1024x2048xi32>
    %bitcast_convert_type3A_25 = tpu.bitcast %or3A : vector<1024x2048xi32> -> vector<1024x2048xf32>
    %reduce_max3A = arith.constant dense<0xFF800000> : vector<1024xf32>
    %reduce_max3A_26 = vector.multi_reduction <maximumf>, %bitcast_convert_type3A_25, %reduce_max3A [1] : vector<1024x2048xf32> to vector<1024xf32>
    %broadcast_in_dim3A_27 = vector.shape_cast %reduce_max3A_26 : vector<1024xf32> to vector<1024x1xf32>
    %bitcast_convert_type3A_28 = tpu.bitcast %broadcast_in_dim3A_27 : vector<1024x1xf32> -> vector<1024x1xi32>
    %and3A_29 = arith.constant 2047 : i32
    %and3A_30 = vector.broadcast %and3A_29 : i32 to vector<1024x1xi32>
    %and3A_31 = arith.andi %bitcast_convert_type3A_28, %and3A_30 : vector<1024x1xi32>
    %eq3A = vector.broadcast %broadcast_in_dim3A_27 : vector<1024x1xf32> to vector<1024x2048xf32>
    %eq3A_32 = arith.cmpf oeq, %bitcast_convert_type3A_25, %eq3A : vector<1024x2048xf32>
    %jit3A = arith.constant 0xFF800000 : f32
    %broadcast_in_dim3A_33 = vector.broadcast %jit3A : f32 to vector<1024x2048xf32>
    %select_n3A = arith.select %eq3A_32, %broadcast_in_dim3A_33, %bitcast_convert_type3A_25 : vector<1024x2048xi1>, vector<1024x2048xf32>
    %reduce_max3A_34 = arith.constant dense<0xFF800000> : vector<1024xf32>
    %reduce_max3A_35 = vector.multi_reduction <maximumf>, %select_n3A, %reduce_max3A_34 [1] : vector<1024x2048xf32> to vector<1024xf32>
    %broadcast_in_dim3A_36 = vector.shape_cast %reduce_max3A_35 : vector<1024xf32> to vector<1024x1xf32>
    %bitcast_convert_type3A_37 = tpu.bitcast %broadcast_in_dim3A_36 : vector<1024x1xf32> -> vector<1024x1xi32>
    %and3A_38 = arith.constant 2047 : i32
    %and3A_39 = vector.broadcast %and3A_38 : i32 to vector<1024x1xi32>
    %and3A_40 = arith.andi %bitcast_convert_type3A_37, %and3A_39 : vector<1024x1xi32>
    %eq3A_41 = vector.broadcast %broadcast_in_dim3A_36 : vector<1024x1xf32> to vector<1024x2048xf32>
    %eq3A_42 = arith.cmpf oeq, %select_n3A, %eq3A_41 : vector<1024x2048xf32>
    %jit3A_43 = arith.constant 0xFF800000 : f32
    %broadcast_in_dim3A_44 = vector.broadcast %jit3A_43 : f32 to vector<1024x2048xf32>
    %select_n3A_45 = arith.select %eq3A_42, %broadcast_in_dim3A_44, %select_n3A : vector<1024x2048xi1>, vector<1024x2048xf32>
    %reduce_max3A_46 = arith.constant dense<0xFF800000> : vector<1024xf32>
    %reduce_max3A_47 = vector.multi_reduction <maximumf>, %select_n3A_45, %reduce_max3A_46 [1] : vector<1024x2048xf32> to vector<1024xf32>
    %broadcast_in_dim3A_48 = vector.shape_cast %reduce_max3A_47 : vector<1024xf32> to vector<1024x1xf32>
    %bitcast_convert_type3A_49 = tpu.bitcast %broadcast_in_dim3A_48 : vector<1024x1xf32> -> vector<1024x1xi32>
    %and3A_50 = arith.constant 2047 : i32
    %and3A_51 = vector.broadcast %and3A_50 : i32 to vector<1024x1xi32>
    %and3A_52 = arith.andi %bitcast_convert_type3A_49, %and3A_51 : vector<1024x1xi32>
    %eq3A_53 = vector.broadcast %broadcast_in_dim3A_48 : vector<1024x1xf32> to vector<1024x2048xf32>
    %eq3A_54 = arith.cmpf oeq, %select_n3A_45, %eq3A_53 : vector<1024x2048xf32>
    %jit3A_55 = arith.constant 0xFF800000 : f32
    %broadcast_in_dim3A_56 = vector.broadcast %jit3A_55 : f32 to vector<1024x2048xf32>
    %select_n3A_57 = arith.select %eq3A_54, %broadcast_in_dim3A_56, %select_n3A_45 : vector<1024x2048xi1>, vector<1024x2048xf32>
    %reduce_max3A_58 = arith.constant dense<0xFF800000> : vector<1024xf32>
    %reduce_max3A_59 = vector.multi_reduction <maximumf>, %select_n3A_57, %reduce_max3A_58 [1] : vector<1024x2048xf32> to vector<1024xf32>
    %broadcast_in_dim3A_60 = vector.shape_cast %reduce_max3A_59 : vector<1024xf32> to vector<1024x1xf32>
    %bitcast_convert_type3A_61 = tpu.bitcast %broadcast_in_dim3A_60 : vector<1024x1xf32> -> vector<1024x1xi32>
    %and3A_62 = arith.constant 2047 : i32
    %and3A_63 = vector.broadcast %and3A_62 : i32 to vector<1024x1xi32>
    %and3A_64 = arith.andi %bitcast_convert_type3A_61, %and3A_63 : vector<1024x1xi32>
    %eq3A_65 = vector.broadcast %broadcast_in_dim3A_60 : vector<1024x1xf32> to vector<1024x2048xf32>
    %eq3A_66 = arith.cmpf oeq, %select_n3A_57, %eq3A_65 : vector<1024x2048xf32>
    %jit3A_67 = arith.constant 0xFF800000 : f32
    %broadcast_in_dim3A_68 = vector.broadcast %jit3A_67 : f32 to vector<1024x2048xf32>
    %select_n3A_69 = arith.select %eq3A_66, %broadcast_in_dim3A_68, %select_n3A_57 : vector<1024x2048xi1>, vector<1024x2048xf32>
    %reduce_max3A_70 = arith.constant dense<0xFF800000> : vector<1024xf32>
    %reduce_max3A_71 = vector.multi_reduction <maximumf>, %select_n3A_69, %reduce_max3A_70 [1] : vector<1024x2048xf32> to vector<1024xf32>
    %broadcast_in_dim3A_72 = vector.shape_cast %reduce_max3A_71 : vector<1024xf32> to vector<1024x1xf32>
    %bitcast_convert_type3A_73 = tpu.bitcast %broadcast_in_dim3A_72 : vector<1024x1xf32> -> vector<1024x1xi32>
    %and3A_74 = arith.constant 2047 : i32
    %and3A_75 = vector.broadcast %and3A_74 : i32 to vector<1024x1xi32>
    %and3A_76 = arith.andi %bitcast_convert_type3A_73, %and3A_75 : vector<1024x1xi32>
    %eq3A_77 = vector.broadcast %broadcast_in_dim3A_72 : vector<1024x1xf32> to vector<1024x2048xf32>
    %eq3A_78 = arith.cmpf oeq, %select_n3A_69, %eq3A_77 : vector<1024x2048xf32>
    %jit3A_79 = arith.constant 0xFF800000 : f32
    %broadcast_in_dim3A_80 = vector.broadcast %jit3A_79 : f32 to vector<1024x2048xf32>
    %select_n3A_81 = arith.select %eq3A_78, %broadcast_in_dim3A_80, %select_n3A_69 : vector<1024x2048xi1>, vector<1024x2048xf32>
    %reduce_max3A_82 = arith.constant dense<0xFF800000> : vector<1024xf32>
    %reduce_max3A_83 = vector.multi_reduction <maximumf>, %select_n3A_81, %reduce_max3A_82 [1] : vector<1024x2048xf32> to vector<1024xf32>
    %broadcast_in_dim3A_84 = vector.shape_cast %reduce_max3A_83 : vector<1024xf32> to vector<1024x1xf32>
    %bitcast_convert_type3A_85 = tpu.bitcast %broadcast_in_dim3A_84 : vector<1024x1xf32> -> vector<1024x1xi32>
    %and3A_86 = arith.constant 2047 : i32
    %and3A_87 = vector.broadcast %and3A_86 : i32 to vector<1024x1xi32>
    %and3A_88 = arith.andi %bitcast_convert_type3A_85, %and3A_87 : vector<1024x1xi32>
    %eq3A_89 = vector.broadcast %broadcast_in_dim3A_84 : vector<1024x1xf32> to vector<1024x2048xf32>
    %eq3A_90 = arith.cmpf oeq, %select_n3A_81, %eq3A_89 : vector<1024x2048xf32>
    %jit3A_91 = arith.constant 0xFF800000 : f32
    %broadcast_in_dim3A_92 = vector.broadcast %jit3A_91 : f32 to vector<1024x2048xf32>
    %select_n3A_93 = arith.select %eq3A_90, %broadcast_in_dim3A_92, %select_n3A_81 : vector<1024x2048xi1>, vector<1024x2048xf32>
    %reduce_max3A_94 = arith.constant dense<0xFF800000> : vector<1024xf32>
    %reduce_max3A_95 = vector.multi_reduction <maximumf>, %select_n3A_93, %reduce_max3A_94 [1] : vector<1024x2048xf32> to vector<1024xf32>
    %broadcast_in_dim3A_96 = vector.shape_cast %reduce_max3A_95 : vector<1024xf32> to vector<1024x1xf32>
    %bitcast_convert_type3A_97 = tpu.bitcast %broadcast_in_dim3A_96 : vector<1024x1xf32> -> vector<1024x1xi32>
    %and3A_98 = arith.constant 2047 : i32
    %and3A_99 = vector.broadcast %and3A_98 : i32 to vector<1024x1xi32>
    %and3A_100 = arith.andi %bitcast_convert_type3A_97, %and3A_99 : vector<1024x1xi32>
    %eq3A_101 = vector.broadcast %broadcast_in_dim3A_96 : vector<1024x1xf32> to vector<1024x2048xf32>
    %eq3A_102 = arith.cmpf oeq, %select_n3A_93, %eq3A_101 : vector<1024x2048xf32>
    %jit3A_103 = arith.constant 0xFF800000 : f32
    %broadcast_in_dim3A_104 = vector.broadcast %jit3A_103 : f32 to vector<1024x2048xf32>
    %select_n3A_105 = arith.select %eq3A_102, %broadcast_in_dim3A_104, %select_n3A_93 : vector<1024x2048xi1>, vector<1024x2048xf32>
    %reduce_max3A_106 = arith.constant dense<0xFF800000> : vector<1024xf32>
    %reduce_max3A_107 = vector.multi_reduction <maximumf>, %select_n3A_105, %reduce_max3A_106 [1] : vector<1024x2048xf32> to vector<1024xf32>
    %broadcast_in_dim3A_108 = vector.shape_cast %reduce_max3A_107 : vector<1024xf32> to vector<1024x1xf32>
    %bitcast_convert_type3A_109 = tpu.bitcast %broadcast_in_dim3A_108 : vector<1024x1xf32> -> vector<1024x1xi32>
    %and3A_110 = arith.constant 2047 : i32
    %and3A_111 = vector.broadcast %and3A_110 : i32 to vector<1024x1xi32>
    %and3A_112 = arith.andi %bitcast_convert_type3A_109, %and3A_111 : vector<1024x1xi32>
    %eq3A_113 = vector.broadcast %broadcast_in_dim3A_108 : vector<1024x1xf32> to vector<1024x2048xf32>
    %eq3A_114 = arith.cmpf oeq, %select_n3A_105, %eq3A_113 : vector<1024x2048xf32>
    %jit3A_115 = arith.constant 0xFF800000 : f32
    %broadcast_in_dim3A_116 = vector.broadcast %jit3A_115 : f32 to vector<1024x2048xf32>
    %select_n3A_117 = arith.select %eq3A_114, %broadcast_in_dim3A_116, %select_n3A_105 : vector<1024x2048xi1>, vector<1024x2048xf32>
    %reduce_max3A_118 = arith.constant dense<0xFF800000> : vector<1024xf32>
    %reduce_max3A_119 = vector.multi_reduction <maximumf>, %select_n3A_117, %reduce_max3A_118 [1] : vector<1024x2048xf32> to vector<1024xf32>
    %broadcast_in_dim3A_120 = vector.shape_cast %reduce_max3A_119 : vector<1024xf32> to vector<1024x1xf32>
    %bitcast_convert_type3A_121 = tpu.bitcast %broadcast_in_dim3A_120 : vector<1024x1xf32> -> vector<1024x1xi32>
    %and3A_122 = arith.constant 2047 : i32
    %and3A_123 = vector.broadcast %and3A_122 : i32 to vector<1024x1xi32>
    %and3A_124 = arith.andi %bitcast_convert_type3A_121, %and3A_123 : vector<1024x1xi32>
    %eq3A_125 = vector.broadcast %broadcast_in_dim3A_120 : vector<1024x1xf32> to vector<1024x2048xf32>
    %eq3A_126 = arith.cmpf oeq, %select_n3A_117, %eq3A_125 : vector<1024x2048xf32>
    %jit3A_127 = arith.constant 0xFF800000 : f32
    %broadcast_in_dim3A_128 = vector.broadcast %jit3A_127 : f32 to vector<1024x2048xf32>
    %select_n3A_129 = arith.select %eq3A_126, %broadcast_in_dim3A_128, %select_n3A_117 : vector<1024x2048xi1>, vector<1024x2048xf32>
    %reduce_max3A_130 = arith.constant dense<0xFF800000> : vector<1024xf32>
    %reduce_max3A_131 = vector.multi_reduction <maximumf>, %select_n3A_129, %reduce_max3A_130 [1] : vector<1024x2048xf32> to vector<1024xf32>
    %broadcast_in_dim3A_132 = vector.shape_cast %reduce_max3A_131 : vector<1024xf32> to vector<1024x1xf32>
    %bitcast_convert_type3A_133 = tpu.bitcast %broadcast_in_dim3A_132 : vector<1024x1xf32> -> vector<1024x1xi32>
    %and3A_134 = arith.constant 2047 : i32
    %and3A_135 = vector.broadcast %and3A_134 : i32 to vector<1024x1xi32>
    %and3A_136 = arith.andi %bitcast_convert_type3A_133, %and3A_135 : vector<1024x1xi32>
    %eq3A_137 = vector.broadcast %broadcast_in_dim3A_132 : vector<1024x1xf32> to vector<1024x2048xf32>
    %eq3A_138 = arith.cmpf oeq, %select_n3A_129, %eq3A_137 : vector<1024x2048xf32>
    %jit3A_139 = arith.constant 0xFF800000 : f32
    %broadcast_in_dim3A_140 = vector.broadcast %jit3A_139 : f32 to vector<1024x2048xf32>
    %select_n3A_141 = arith.select %eq3A_138, %broadcast_in_dim3A_140, %select_n3A_129 : vector<1024x2048xi1>, vector<1024x2048xf32>
    %reduce_max3A_142 = arith.constant dense<0xFF800000> : vector<1024xf32>
    %reduce_max3A_143 = vector.multi_reduction <maximumf>, %select_n3A_141, %reduce_max3A_142 [1] : vector<1024x2048xf32> to vector<1024xf32>
    %broadcast_in_dim3A_144 = vector.shape_cast %reduce_max3A_143 : vector<1024xf32> to vector<1024x1xf32>
    %bitcast_convert_type3A_145 = tpu.bitcast %broadcast_in_dim3A_144 : vector<1024x1xf32> -> vector<1024x1xi32>
    %and3A_146 = arith.constant 2047 : i32
    %and3A_147 = vector.broadcast %and3A_146 : i32 to vector<1024x1xi32>
    %and3A_148 = arith.andi %bitcast_convert_type3A_145, %and3A_147 : vector<1024x1xi32>
    %eq3A_149 = vector.broadcast %broadcast_in_dim3A_144 : vector<1024x1xf32> to vector<1024x2048xf32>
    %eq3A_150 = arith.cmpf oeq, %select_n3A_141, %eq3A_149 : vector<1024x2048xf32>
    %jit3A_151 = arith.constant 0xFF800000 : f32
    %broadcast_in_dim3A_152 = vector.broadcast %jit3A_151 : f32 to vector<1024x2048xf32>
    %select_n3A_153 = arith.select %eq3A_150, %broadcast_in_dim3A_152, %select_n3A_141 : vector<1024x2048xi1>, vector<1024x2048xf32>
    %reduce_max3A_154 = arith.constant dense<0xFF800000> : vector<1024xf32>
    %reduce_max3A_155 = vector.multi_reduction <maximumf>, %select_n3A_153, %reduce_max3A_154 [1] : vector<1024x2048xf32> to vector<1024xf32>
    %broadcast_in_dim3A_156 = vector.shape_cast %reduce_max3A_155 : vector<1024xf32> to vector<1024x1xf32>
    %bitcast_convert_type3A_157 = tpu.bitcast %broadcast_in_dim3A_156 : vector<1024x1xf32> -> vector<1024x1xi32>
    %and3A_158 = arith.constant 2047 : i32
    %and3A_159 = vector.broadcast %and3A_158 : i32 to vector<1024x1xi32>
    %and3A_160 = arith.andi %bitcast_convert_type3A_157, %and3A_159 : vector<1024x1xi32>
    %eq3A_161 = vector.broadcast %broadcast_in_dim3A_156 : vector<1024x1xf32> to vector<1024x2048xf32>
    %eq3A_162 = arith.cmpf oeq, %select_n3A_153, %eq3A_161 : vector<1024x2048xf32>
    %jit3A_163 = arith.constant 0xFF800000 : f32
    %broadcast_in_dim3A_164 = vector.broadcast %jit3A_163 : f32 to vector<1024x2048xf32>
    %select_n3A_165 = arith.select %eq3A_162, %broadcast_in_dim3A_164, %select_n3A_153 : vector<1024x2048xi1>, vector<1024x2048xf32>
    %reduce_max3A_166 = arith.constant dense<0xFF800000> : vector<1024xf32>
    %reduce_max3A_167 = vector.multi_reduction <maximumf>, %select_n3A_165, %reduce_max3A_166 [1] : vector<1024x2048xf32> to vector<1024xf32>
    %broadcast_in_dim3A_168 = vector.shape_cast %reduce_max3A_167 : vector<1024xf32> to vector<1024x1xf32>
    %bitcast_convert_type3A_169 = tpu.bitcast %broadcast_in_dim3A_168 : vector<1024x1xf32> -> vector<1024x1xi32>
    %and3A_170 = arith.constant 2047 : i32
    %and3A_171 = vector.broadcast %and3A_170 : i32 to vector<1024x1xi32>
    %and3A_172 = arith.andi %bitcast_convert_type3A_169, %and3A_171 : vector<1024x1xi32>
    %eq3A_173 = vector.broadcast %broadcast_in_dim3A_168 : vector<1024x1xf32> to vector<1024x2048xf32>
    %eq3A_174 = arith.cmpf oeq, %select_n3A_165, %eq3A_173 : vector<1024x2048xf32>
    %jit3A_175 = arith.constant 0xFF800000 : f32
    %broadcast_in_dim3A_176 = vector.broadcast %jit3A_175 : f32 to vector<1024x2048xf32>
    %select_n3A_177 = arith.select %eq3A_174, %broadcast_in_dim3A_176, %select_n3A_165 : vector<1024x2048xi1>, vector<1024x2048xf32>
    %reduce_max3A_178 = arith.constant dense<0xFF800000> : vector<1024xf32>
    %reduce_max3A_179 = vector.multi_reduction <maximumf>, %select_n3A_177, %reduce_max3A_178 [1] : vector<1024x2048xf32> to vector<1024xf32>
    %broadcast_in_dim3A_180 = vector.shape_cast %reduce_max3A_179 : vector<1024xf32> to vector<1024x1xf32>
    %bitcast_convert_type3A_181 = tpu.bitcast %broadcast_in_dim3A_180 : vector<1024x1xf32> -> vector<1024x1xi32>
    %and3A_182 = arith.constant 2047 : i32
    %and3A_183 = vector.broadcast %and3A_182 : i32 to vector<1024x1xi32>
    %and3A_184 = arith.andi %bitcast_convert_type3A_181, %and3A_183 : vector<1024x1xi32>
    %eq3A_185 = vector.broadcast %broadcast_in_dim3A_180 : vector<1024x1xf32> to vector<1024x2048xf32>
    %eq3A_186 = arith.cmpf oeq, %select_n3A_177, %eq3A_185 : vector<1024x2048xf32>
    %jit3A_187 = arith.constant 0xFF800000 : f32
    %broadcast_in_dim3A_188 = vector.broadcast %jit3A_187 : f32 to vector<1024x2048xf32>
    %select_n3A_189 = arith.select %eq3A_186, %broadcast_in_dim3A_188, %select_n3A_177 : vector<1024x2048xi1>, vector<1024x2048xf32>
    %reduce_max3A_190 = arith.constant dense<0xFF800000> : vector<1024xf32>
    %reduce_max3A_191 = vector.multi_reduction <maximumf>, %select_n3A_189, %reduce_max3A_190 [1] : vector<1024x2048xf32> to vector<1024xf32>
    %broadcast_in_dim3A_192 = vector.shape_cast %reduce_max3A_191 : vector<1024xf32> to vector<1024x1xf32>
    %bitcast_convert_type3A_193 = tpu.bitcast %broadcast_in_dim3A_192 : vector<1024x1xf32> -> vector<1024x1xi32>
    %and3A_194 = arith.constant 2047 : i32
    %and3A_195 = vector.broadcast %and3A_194 : i32 to vector<1024x1xi32>
    %and3A_196 = arith.andi %bitcast_convert_type3A_193, %and3A_195 : vector<1024x1xi32>
    %eq3A_197 = vector.broadcast %broadcast_in_dim3A_192 : vector<1024x1xf32> to vector<1024x2048xf32>
    %eq3A_198 = arith.cmpf oeq, %select_n3A_189, %eq3A_197 : vector<1024x2048xf32>
    %jit3A_199 = arith.constant 0xFF800000 : f32
    %broadcast_in_dim3A_200 = vector.broadcast %jit3A_199 : f32 to vector<1024x2048xf32>
    %select_n3A_201 = arith.select %eq3A_198, %broadcast_in_dim3A_200, %select_n3A_189 : vector<1024x2048xi1>, vector<1024x2048xf32>
    %reduce_max3A_202 = arith.constant dense<0xFF800000> : vector<1024xf32>
    %reduce_max3A_203 = vector.multi_reduction <maximumf>, %select_n3A_201, %reduce_max3A_202 [1] : vector<1024x2048xf32> to vector<1024xf32>
    %broadcast_in_dim3A_204 = vector.shape_cast %reduce_max3A_203 : vector<1024xf32> to vector<1024x1xf32>
    %bitcast_convert_type3A_205 = tpu.bitcast %broadcast_in_dim3A_204 : vector<1024x1xf32> -> vector<1024x1xi32>
    %and3A_206 = arith.constant 2047 : i32
    %and3A_207 = vector.broadcast %and3A_206 : i32 to vector<1024x1xi32>
    %and3A_208 = arith.andi %bitcast_convert_type3A_205, %and3A_207 : vector<1024x1xi32>
    %mul3A_209 = arith.constant 2048 : i32
    %mul3A_210 = arith.muli %arg0, %mul3A_209 : i32
    %concatenate3A = tpu.concatenate %and3A_31, %and3A_40, %and3A_52, %and3A_64, %and3A_76, %and3A_88, %and3A_100, %and3A_112, %and3A_124, %and3A_136, %and3A_148, %and3A_160, %and3A_172, %and3A_184, %and3A_196, %and3A_208 in 1 : vector<1024x1xi32>, vector<1024x1xi32>, vector<1024x1xi32>, vector<1024x1xi32>, vector<1024x1xi32>, vector<1024x1xi32>, vector<1024x1xi32>, vector<1024x1xi32>, vector<1024x1xi32>, vector<1024x1xi32>, vector<1024x1xi32>, vector<1024x1xi32>, vector<1024x1xi32>, vector<1024x1xi32>, vector<1024x1xi32>, vector<1024x1xi32> -> vector<1024x16xi32>
    %add3A_211 = vector.broadcast %mul3A_210 : i32 to vector<1024x16xi32>
    %add3A_212 = arith.addi %concatenate3A, %add3A_211 : vector<1024x16xi32>
    %swap3A = arith.constant 0 : index
    %swap3A_213 = arith.constant 0 : index
    %swap3A_214 = arith.constant 0 : index
    %swap3A_215 = vector.load %arg4[%swap3A, %swap3A_213, %swap3A_214] : memref<1x1024x16xi32, #tpu.memory_space<vmem>>, vector<1x1024x16xi32>
    %swap3A_216 = vector.shape_cast %swap3A_215 : vector<1x1024x16xi32> to vector<1024x16xi32>
    %swap3A_217 = vector.shape_cast %add3A_212 : vector<1024x16xi32> to vector<1x1024x16xi32>
    tpu.vector_store %arg4[%swap3A, %swap3A_213, %swap3A_214], %swap3A_217 {strides = array<i32>} : memref<1x1024x16xi32, #tpu.memory_space<vmem>>, vector<1x1024x16xi32>,
    return
  }
  func.func @transform_0(%arg0: i32, %arg1: i32) -> (i32, i32, i32) {
    %c0_i32 = arith.constant 0 : i32
    %c0_i32_0 = arith.constant 0 : i32
    return %arg0, %c0_i32, %arg1 : i32, i32, i32
  }
  func.func @transform_1(%arg0: i32, %arg1: i32) -> (i32, i32, i32) {
    %c0_i32 = arith.constant 0 : i32
    %c0_i32_0 = arith.constant 0 : i32
    %c0_i32_1 = arith.constant 0 : i32
    return %arg0, %c0_i32, %c0_i32_0 : i32, i32, i32
  }
  func.func @transform_2(%arg0: i32, %arg1: i32) -> (i32, i32, i32) {
    %c0_i32 = arith.constant 0 : i32
    %c0_i32_0 = arith.constant 0 : i32
    return %arg0, %arg1, %c0_i32 : i32, i32, i32
  }
}

module attributes {stable_mosaic.version = 14 : i64} {
  func.func @_prep_body(%arg0: i32, %arg1: i32, %arg2: memref<1x3x512x64xf32, #tpu.memory_space<vmem>>, %arg3: memref<1x3x512x64xf32, #tpu.memory_space<vmem>>, %arg4: memref<64x64xf32, #tpu.memory_space<vmem>>, %arg5: memref<64x64xf32, #tpu.memory_space<vmem>>, %arg6: memref<64x64xf32, #tpu.memory_space<vmem>>, %arg7: memref<64x64xf32, #tpu.memory_space<vmem>>, %arg8: memref<64x64xf32, #tpu.memory_space<vmem>>, %arg9: memref<64x64xf32, #tpu.memory_space<vmem>>, %arg10: memref<1x3x512x64xf32, #tpu.memory_space<vmem>>, %arg11: memref<1x3x512x64xf32, #tpu.memory_space<vmem>>, %arg12: memref<1x3x512x64xf32, #tpu.memory_space<vmem>>, %arg13: memref<1x3x512x64xf32, #tpu.memory_space<vmem>>, %arg14: memref<1x3x512x64xf32, #tpu.memory_space<vmem>>) attributes {dimension_semantics = [#tpu.dimension_semantics<arbitrary>, #tpu.dimension_semantics<arbitrary>], iteration_bounds = array<i64: 4, 4>, scalar_prefetch = 0 : i64, scratch_operands = 0 : i64, tpu.core_type = #tpu.core_type<tc>, window_params = [{transform_indices = @transform_0, window_bounds = array<i64: 1, 3, 512, 64>}, {transform_indices = @transform_1, window_bounds = array<i64: 1, 3, 512, 64>}, {pipeline_mode = #tpu.pipeline_mode<synchronous>, transform_indices = @transform_2, window_bounds = array<i64: 64, 64>}, {pipeline_mode = #tpu.pipeline_mode<synchronous>, transform_indices = @transform_3, window_bounds = array<i64: 64, 64>}, {pipeline_mode = #tpu.pipeline_mode<synchronous>, transform_indices = @transform_4, window_bounds = array<i64: 64, 64>}, {pipeline_mode = #tpu.pipeline_mode<synchronous>, transform_indices = @transform_5, window_bounds = array<i64: 64, 64>}, {pipeline_mode = #tpu.pipeline_mode<synchronous>, transform_indices = @transform_6, window_bounds = array<i64: 64, 64>}, {pipeline_mode = #tpu.pipeline_mode<synchronous>, transform_indices = @transform_7, window_bounds = array<i64: 64, 64>}, {transform_indices = @transform_8, window_bounds = array<i64: 1, 3, 512, 64>}, {transform_indices = @transform_9, window_bounds = array<i64: 1, 3, 512, 64>}, {transform_indices = @transform_10, window_bounds = array<i64: 1, 3, 512, 64>}, {transform_indices = @transform_11, window_bounds = array<i64: 1, 3, 512, 64>}, {transform_indices = @transform_12, window_bounds = array<i64: 1, 3, 512, 64>}]} {
    %get3A = arith.constant 0 : index
    %get3A_0 = arith.constant 0 : index
    %get3A_1 = vector.load %arg4[%get3A, %get3A_0] : memref<64x64xf32, #tpu.memory_space<vmem>>, vector<64x64xf32>
    %get3A_2 = arith.constant 0 : index
    %get3A_3 = arith.constant 0 : index
    %get3A_4 = vector.load %arg5[%get3A_2, %get3A_3] : memref<64x64xf32, #tpu.memory_space<vmem>>, vector<64x64xf32>
    %get3A_5 = arith.constant 0 : index
    %get3A_6 = arith.constant 0 : index
    %get3A_7 = arith.constant 0 : index
    %get3A_8 = arith.constant 0 : index
    %get3A_9 = vector.load %arg2[%get3A_5, %get3A_6, %get3A_7, %get3A_8] : memref<1x3x512x64xf32, #tpu.memory_space<vmem>>, vector<1x1x512x64xf32>
    %get3A_10 = vector.shape_cast %get3A_9 : vector<1x1x512x64xf32> to vector<512x64xf32>
    %dot_general3A = arith.constant dense<0.000000e+00> : vector<512x64xf32>
    %dot_general3A_11 = tpu.matmul %get3A_10, %get3A_1, %dot_general3A {dimension_numbers = #tpu.dot_dimension_numbers<[1], [1], [0], [0], [0, 0, 1, 0], [], []>, transpose_lhs_hint = false} : vector<512x64xf32>, vector<64x64xf32>, vector<512x64xf32> -> vector<512x64xf32>
    %get3A_12 = arith.constant 0 : index
    %get3A_13 = arith.constant 1 : index
    %get3A_14 = arith.constant 0 : index
    %get3A_15 = arith.constant 0 : index
    %get3A_16 = vector.load %arg2[%get3A_12, %get3A_13, %get3A_14, %get3A_15] : memref<1x3x512x64xf32, #tpu.memory_space<vmem>>, vector<1x1x512x64xf32>
    %get3A_17 = vector.shape_cast %get3A_16 : vector<1x1x512x64xf32> to vector<512x64xf32>
    %dot_general3A_18 = arith.constant dense<0.000000e+00> : vector<512x64xf32>
    %dot_general3A_19 = tpu.matmul %get3A_17, %get3A_1, %dot_general3A_18 {dimension_numbers = #tpu.dot_dimension_numbers<[1], [1], [0], [0], [0, 0, 1, 0], [], []>, transpose_lhs_hint = false} : vector<512x64xf32>, vector<64x64xf32>, vector<512x64xf32> -> vector<512x64xf32>
    %get3A_20 = arith.constant 0 : index
    %get3A_21 = arith.constant 2 : index
    %get3A_22 = arith.constant 0 : index
    %get3A_23 = arith.constant 0 : index
    %get3A_24 = vector.load %arg2[%get3A_20, %get3A_21, %get3A_22, %get3A_23] : memref<1x3x512x64xf32, #tpu.memory_space<vmem>>, vector<1x1x512x64xf32>
    %get3A_25 = vector.shape_cast %get3A_24 : vector<1x1x512x64xf32> to vector<512x64xf32>
    %dot_general3A_26 = arith.constant dense<0.000000e+00> : vector<512x64xf32>
    %dot_general3A_27 = tpu.matmul %get3A_25, %get3A_1, %dot_general3A_26 {dimension_numbers = #tpu.dot_dimension_numbers<[1], [1], [0], [0], [0, 0, 1, 0], [], []>, transpose_lhs_hint = false} : vector<512x64xf32>, vector<64x64xf32>, vector<512x64xf32> -> vector<512x64xf32>
    %get3A_28 = arith.constant 0 : index
    %get3A_29 = arith.constant 0 : index
    %get3A_30 = arith.constant 0 : index
    %get3A_31 = arith.constant 0 : index
    %get3A_32 = vector.load %arg2[%get3A_28, %get3A_29, %get3A_30, %get3A_31] : memref<1x3x512x64xf32, #tpu.memory_space<vmem>>, vector<1x1x512x64xf32>
    %get3A_33 = vector.shape_cast %get3A_32 : vector<1x1x512x64xf32> to vector<512x64xf32>
    %dot_general3A_34 = arith.constant dense<0.000000e+00> : vector<512x64xf32>
    %dot_general3A_35 = tpu.matmul %get3A_33, %get3A_4, %dot_general3A_34 {dimension_numbers = #tpu.dot_dimension_numbers<[1], [1], [0], [0], [0, 0, 1, 0], [], []>, transpose_lhs_hint = false} : vector<512x64xf32>, vector<64x64xf32>, vector<512x64xf32> -> vector<512x64xf32>
    %get3A_36 = arith.constant 0 : index
    %get3A_37 = arith.constant 1 : index
    %get3A_38 = arith.constant 0 : index
    %get3A_39 = arith.constant 0 : index
    %get3A_40 = vector.load %arg2[%get3A_36, %get3A_37, %get3A_38, %get3A_39] : memref<1x3x512x64xf32, #tpu.memory_space<vmem>>, vector<1x1x512x64xf32>
    %get3A_41 = vector.shape_cast %get3A_40 : vector<1x1x512x64xf32> to vector<512x64xf32>
    %dot_general3A_42 = arith.constant dense<0.000000e+00> : vector<512x64xf32>
    %dot_general3A_43 = tpu.matmul %get3A_41, %get3A_4, %dot_general3A_42 {dimension_numbers = #tpu.dot_dimension_numbers<[1], [1], [0], [0], [0, 0, 1, 0], [], []>, transpose_lhs_hint = false} : vector<512x64xf32>, vector<64x64xf32>, vector<512x64xf32> -> vector<512x64xf32>
    %get3A_44 = arith.constant 0 : index
    %get3A_45 = arith.constant 2 : index
    %get3A_46 = arith.constant 0 : index
    %get3A_47 = arith.constant 0 : index
    %get3A_48 = vector.load %arg2[%get3A_44, %get3A_45, %get3A_46, %get3A_47] : memref<1x3x512x64xf32, #tpu.memory_space<vmem>>, vector<1x1x512x64xf32>
    %get3A_49 = vector.shape_cast %get3A_48 : vector<1x1x512x64xf32> to vector<512x64xf32>
    %dot_general3A_50 = arith.constant dense<0.000000e+00> : vector<512x64xf32>
    %dot_general3A_51 = tpu.matmul %get3A_49, %get3A_4, %dot_general3A_50 {dimension_numbers = #tpu.dot_dimension_numbers<[1], [1], [0], [0], [0, 0, 1, 0], [], []>, transpose_lhs_hint = false} : vector<512x64xf32>, vector<64x64xf32>, vector<512x64xf32> -> vector<512x64xf32>
    %mul3A = arith.mulf %dot_general3A_11, %dot_general3A_35 : vector<512x64xf32>
    %add3A = arith.constant 0.000000e+00 : f32
    %add3A_52 = vector.broadcast %add3A : f32 to vector<512x64xf32>
    %add3A_53 = arith.addf %add3A_52, %mul3A : vector<512x64xf32>
    %mul3A_54 = arith.mulf %dot_general3A_19, %dot_general3A_43 : vector<512x64xf32>
    %add3A_55 = arith.addf %add3A_53, %mul3A_54 : vector<512x64xf32>
    %mul3A_56 = arith.mulf %dot_general3A_27, %dot_general3A_51 : vector<512x64xf32>
    %add3A_57 = arith.addf %add3A_55, %mul3A_56 : vector<512x64xf32>
    %mul3A_58 = arith.mulf %dot_general3A_35, %dot_general3A_35 : vector<512x64xf32>
    %add3A_59 = arith.constant 0.000000e+00 : f32
    %add3A_60 = vector.broadcast %add3A_59 : f32 to vector<512x64xf32>
    %add3A_61 = arith.addf %add3A_60, %mul3A_58 : vector<512x64xf32>
    %mul3A_62 = arith.mulf %dot_general3A_43, %dot_general3A_43 : vector<512x64xf32>
    %add3A_63 = arith.addf %add3A_61, %mul3A_62 : vector<512x64xf32>
    %mul3A_64 = arith.mulf %dot_general3A_51, %dot_general3A_51 : vector<512x64xf32>
    %add3A_65 = arith.addf %add3A_63, %mul3A_64 : vector<512x64xf32>
    %lt3A = arith.constant 0.000000e+00 : f32
    %lt3A_66 = vector.broadcast %lt3A : f32 to vector<512x64xf32>
    %lt3A_67 = arith.cmpf olt, %add3A_57, %lt3A_66 : vector<512x64xf32>
    %mul3A_68 = arith.constant 8.000000e-01 : f32
    %mul3A_69 = vector.broadcast %mul3A_68 : f32 to vector<512x64xf32>
    %mul3A_70 = arith.mulf %mul3A_69, %add3A_57 : vector<512x64xf32>
    %add3A_71 = arith.constant 9.99999997E-7 : f32
    %add3A_72 = vector.broadcast %add3A_71 : f32 to vector<512x64xf32>
    %add3A_73 = arith.addf %add3A_65, %add3A_72 : vector<512x64xf32>
    %div3A = arith.divf %mul3A_70, %add3A_73 : vector<512x64xf32>
    %jit3A = arith.constant 0.000000e+00 : f32
    %broadcast_in_dim3A = vector.broadcast %jit3A : f32 to vector<512x64xf32>
    %select_n3A = arith.select %lt3A_67, %div3A, %broadcast_in_dim3A : vector<512x64xi1>, vector<512x64xf32>
    %mul3A_74 = arith.mulf %select_n3A, %dot_general3A_35 : vector<512x64xf32>
    %sub3A = arith.subf %dot_general3A_11, %mul3A_74 : vector<512x64xf32>
    %mul3A_75 = arith.mulf %select_n3A, %dot_general3A_43 : vector<512x64xf32>
    %sub3A_76 = arith.subf %dot_general3A_19, %mul3A_75 : vector<512x64xf32>
    %mul3A_77 = arith.mulf %select_n3A, %dot_general3A_51 : vector<512x64xf32>
    %sub3A_78 = arith.subf %dot_general3A_27, %mul3A_77 : vector<512x64xf32>
    %mul3A_79 = arith.mulf %sub3A, %sub3A : vector<512x64xf32>
    %add3A_80 = arith.constant 0.000000e+00 : f32
    %add3A_81 = vector.broadcast %add3A_80 : f32 to vector<512x64xf32>
    %add3A_82 = arith.addf %add3A_81, %mul3A_79 : vector<512x64xf32>
    %mul3A_83 = arith.mulf %sub3A_76, %sub3A_76 : vector<512x64xf32>
    %add3A_84 = arith.addf %add3A_82, %mul3A_83 : vector<512x64xf32>
    %mul3A_85 = arith.mulf %sub3A_78, %sub3A_78 : vector<512x64xf32>
    %add3A_86 = arith.addf %add3A_84, %mul3A_85 : vector<512x64xf32>
    %reduce_sum3A = arith.constant dense<0.000000e+00> : vector<512xf32>
    %reduce_sum3A_87 = vector.multi_reduction <add>, %add3A_86, %reduce_sum3A [1] : vector<512x64xf32> to vector<512xf32>
    %broadcast_in_dim3A_88 = vector.shape_cast %reduce_sum3A_87 : vector<512xf32> to vector<512x1xf32>
    %sqrt3A = math.sqrt %broadcast_in_dim3A_88 : vector<512x1xf32>
    %max3A = arith.constant 9.99999996E-13 : f32
    %max3A_89 = vector.broadcast %max3A : f32 to vector<512x1xf32>
    %max3A_90 = arith.maximumf %sqrt3A, %max3A_89 : vector<512x1xf32>
    %div3A_91 = arith.constant 1.000000e+00 : f32
    %div3A_92 = vector.broadcast %div3A_91 : f32 to vector<512x1xf32>
    %div3A_93 = arith.divf %div3A_92, %max3A_90 : vector<512x1xf32>
    %mul3A_94 = vector.broadcast %div3A_93 : vector<512x1xf32> to vector<512x64xf32>
    %mul3A_95 = arith.mulf %sub3A, %mul3A_94 : vector<512x64xf32>
    %swap3A = arith.constant 0 : index
    %swap3A_96 = arith.constant 0 : index
    %swap3A_97 = arith.constant 0 : index
    %swap3A_98 = arith.constant 0 : index
    %swap3A_99 = vector.load %arg10[%swap3A, %swap3A_96, %swap3A_97, %swap3A_98] : memref<1x3x512x64xf32, #tpu.memory_space<vmem>>, vector<1x1x512x64xf32>
    %swap3A_100 = vector.shape_cast %swap3A_99 : vector<1x1x512x64xf32> to vector<512x64xf32>
    %swap3A_101 = vector.shape_cast %mul3A_95 : vector<512x64xf32> to vector<1x1x512x64xf32>
    tpu.vector_store %arg10[%swap3A, %swap3A_96, %swap3A_97, %swap3A_98], %swap3A_101 {strides = array<i32>} : memref<1x3x512x64xf32, #tpu.memory_space<vmem>>, vector<1x1x512x64xf32>,
    %mul3A_102 = vector.broadcast %div3A_93 : vector<512x1xf32> to vector<512x64xf32>
    %mul3A_103 = arith.mulf %sub3A_76, %mul3A_102 : vector<512x64xf32>
    %swap3A_104 = arith.constant 0 : index
    %swap3A_105 = arith.constant 1 : index
    %swap3A_106 = arith.constant 0 : index
    %swap3A_107 = arith.constant 0 : index
    %swap3A_108 = vector.load %arg10[%swap3A_104, %swap3A_105, %swap3A_106, %swap3A_107] : memref<1x3x512x64xf32, #tpu.memory_space<vmem>>, vector<1x1x512x64xf32>
    %swap3A_109 = vector.shape_cast %swap3A_108 : vector<1x1x512x64xf32> to vector<512x64xf32>
    %swap3A_110 = vector.shape_cast %mul3A_103 : vector<512x64xf32> to vector<1x1x512x64xf32>
    tpu.vector_store %arg10[%swap3A_104, %swap3A_105, %swap3A_106, %swap3A_107], %swap3A_110 {strides = array<i32>} : memref<1x3x512x64xf32, #tpu.memory_space<vmem>>, vector<1x1x512x64xf32>,
    %mul3A_111 = vector.broadcast %div3A_93 : vector<512x1xf32> to vector<512x64xf32>
    %mul3A_112 = arith.mulf %sub3A_78, %mul3A_111 : vector<512x64xf32>
    %swap3A_113 = arith.constant 0 : index
    %swap3A_114 = arith.constant 2 : index
    %swap3A_115 = arith.constant 0 : index
    %swap3A_116 = arith.constant 0 : index
    %swap3A_117 = vector.load %arg10[%swap3A_113, %swap3A_114, %swap3A_115, %swap3A_116] : memref<1x3x512x64xf32, #tpu.memory_space<vmem>>, vector<1x1x512x64xf32>
    %swap3A_118 = vector.shape_cast %swap3A_117 : vector<1x1x512x64xf32> to vector<512x64xf32>
    %swap3A_119 = vector.shape_cast %mul3A_112 : vector<512x64xf32> to vector<1x1x512x64xf32>
    tpu.vector_store %arg10[%swap3A_113, %swap3A_114, %swap3A_115, %swap3A_116], %swap3A_119 {strides = array<i32>} : memref<1x3x512x64xf32, #tpu.memory_space<vmem>>, vector<1x1x512x64xf32>,
    %get3A_120 = arith.constant 0 : index
    %get3A_121 = arith.constant 0 : index
    %get3A_122 = vector.load %arg6[%get3A_120, %get3A_121] : memref<64x64xf32, #tpu.memory_space<vmem>>, vector<64x64xf32>
    %get3A_123 = arith.constant 0 : index
    %get3A_124 = arith.constant 0 : index
    %get3A_125 = arith.constant 0 : index
    %get3A_126 = arith.constant 0 : index
    %get3A_127 = vector.load %arg3[%get3A_123, %get3A_124, %get3A_125, %get3A_126] : memref<1x3x512x64xf32, #tpu.memory_space<vmem>>, vector<1x1x512x64xf32>
    %get3A_128 = vector.shape_cast %get3A_127 : vector<1x1x512x64xf32> to vector<512x64xf32>
    %dot_general3A_129 = arith.constant dense<0.000000e+00> : vector<512x64xf32>
    %dot_general3A_130 = tpu.matmul %get3A_128, %get3A_122, %dot_general3A_129 {dimension_numbers = #tpu.dot_dimension_numbers<[1], [1], [0], [0], [0, 0, 1, 0], [], []>, transpose_lhs_hint = false} : vector<512x64xf32>, vector<64x64xf32>, vector<512x64xf32> -> vector<512x64xf32>
    %swap3A_131 = arith.constant 0 : index
    %swap3A_132 = arith.constant 0 : index
    %swap3A_133 = arith.constant 0 : index
    %swap3A_134 = arith.constant 0 : index
    %swap3A_135 = vector.load %arg11[%swap3A_131, %swap3A_132, %swap3A_133, %swap3A_134] : memref<1x3x512x64xf32, #tpu.memory_space<vmem>>, vector<1x1x512x64xf32>
    %swap3A_136 = vector.shape_cast %swap3A_135 : vector<1x1x512x64xf32> to vector<512x64xf32>
    %swap3A_137 = vector.shape_cast %dot_general3A_130 : vector<512x64xf32> to vector<1x1x512x64xf32>
    tpu.vector_store %arg11[%swap3A_131, %swap3A_132, %swap3A_133, %swap3A_134], %swap3A_137 {strides = array<i32>} : memref<1x3x512x64xf32, #tpu.memory_space<vmem>>, vector<1x1x512x64xf32>,
    %get3A_138 = arith.constant 0 : index
    %get3A_139 = arith.constant 1 : index
    %get3A_140 = arith.constant 0 : index
    %get3A_141 = arith.constant 0 : index
    %get3A_142 = vector.load %arg3[%get3A_138, %get3A_139, %get3A_140, %get3A_141] : memref<1x3x512x64xf32, #tpu.memory_space<vmem>>, vector<1x1x512x64xf32>
    %get3A_143 = vector.shape_cast %get3A_142 : vector<1x1x512x64xf32> to vector<512x64xf32>
    %dot_general3A_144 = arith.constant dense<0.000000e+00> : vector<512x64xf32>
    %dot_general3A_145 = tpu.matmul %get3A_143, %get3A_122, %dot_general3A_144 {dimension_numbers = #tpu.dot_dimension_numbers<[1], [1], [0], [0], [0, 0, 1, 0], [], []>, transpose_lhs_hint = false} : vector<512x64xf32>, vector<64x64xf32>, vector<512x64xf32> -> vector<512x64xf32>
    %swap3A_146 = arith.constant 0 : index
    %swap3A_147 = arith.constant 1 : index
    %swap3A_148 = arith.constant 0 : index
    %swap3A_149 = arith.constant 0 : index
    %swap3A_150 = vector.load %arg11[%swap3A_146, %swap3A_147, %swap3A_148, %swap3A_149] : memref<1x3x512x64xf32, #tpu.memory_space<vmem>>, vector<1x1x512x64xf32>
    %swap3A_151 = vector.shape_cast %swap3A_150 : vector<1x1x512x64xf32> to vector<512x64xf32>
    %swap3A_152 = vector.shape_cast %dot_general3A_145 : vector<512x64xf32> to vector<1x1x512x64xf32>
    tpu.vector_store %arg11[%swap3A_146, %swap3A_147, %swap3A_148, %swap3A_149], %swap3A_152 {strides = array<i32>} : memref<1x3x512x64xf32, #tpu.memory_space<vmem>>, vector<1x1x512x64xf32>,
    %get3A_153 = arith.constant 0 : index
    %get3A_154 = arith.constant 2 : index
    %get3A_155 = arith.constant 0 : index
    %get3A_156 = arith.constant 0 : index
    %get3A_157 = vector.load %arg3[%get3A_153, %get3A_154, %get3A_155, %get3A_156] : memref<1x3x512x64xf32, #tpu.memory_space<vmem>>, vector<1x1x512x64xf32>
    %get3A_158 = vector.shape_cast %get3A_157 : vector<1x1x512x64xf32> to vector<512x64xf32>
    %dot_general3A_159 = arith.constant dense<0.000000e+00> : vector<512x64xf32>
    %dot_general3A_160 = tpu.matmul %get3A_158, %get3A_122, %dot_general3A_159 {dimension_numbers = #tpu.dot_dimension_numbers<[1], [1], [0], [0], [0, 0, 1, 0], [], []>, transpose_lhs_hint = false} : vector<512x64xf32>, vector<64x64xf32>, vector<512x64xf32> -> vector<512x64xf32>
    %swap3A_161 = arith.constant 0 : index
    %swap3A_162 = arith.constant 2 : index
    %swap3A_163 = arith.constant 0 : index
    %swap3A_164 = arith.constant 0 : index
    %swap3A_165 = vector.load %arg11[%swap3A_161, %swap3A_162, %swap3A_163, %swap3A_164] : memref<1x3x512x64xf32, #tpu.memory_space<vmem>>, vector<1x1x512x64xf32>
    %swap3A_166 = vector.shape_cast %swap3A_165 : vector<1x1x512x64xf32> to vector<512x64xf32>
    %swap3A_167 = vector.shape_cast %dot_general3A_160 : vector<512x64xf32> to vector<1x1x512x64xf32>
    tpu.vector_store %arg11[%swap3A_161, %swap3A_162, %swap3A_163, %swap3A_164], %swap3A_167 {strides = array<i32>} : memref<1x3x512x64xf32, #tpu.memory_space<vmem>>, vector<1x1x512x64xf32>,
    %get3A_168 = arith.constant 0 : index
    %get3A_169 = arith.constant 0 : index
    %get3A_170 = vector.load %arg7[%get3A_168, %get3A_169] : memref<64x64xf32, #tpu.memory_space<vmem>>, vector<64x64xf32>
    %get3A_171 = arith.constant 0 : index
    %get3A_172 = arith.constant 0 : index
    %get3A_173 = arith.constant 0 : index
    %get3A_174 = arith.constant 0 : index
    %get3A_175 = vector.load %arg3[%get3A_171, %get3A_172, %get3A_173, %get3A_174] : memref<1x3x512x64xf32, #tpu.memory_space<vmem>>, vector<1x1x512x64xf32>
    %get3A_176 = vector.shape_cast %get3A_175 : vector<1x1x512x64xf32> to vector<512x64xf32>
    %dot_general3A_177 = arith.constant dense<0.000000e+00> : vector<512x64xf32>
    %dot_general3A_178 = tpu.matmul %get3A_176, %get3A_170, %dot_general3A_177 {dimension_numbers = #tpu.dot_dimension_numbers<[1], [1], [0], [0], [0, 0, 1, 0], [], []>, transpose_lhs_hint = false} : vector<512x64xf32>, vector<64x64xf32>, vector<512x64xf32> -> vector<512x64xf32>
    %swap3A_179 = arith.constant 0 : index
    %swap3A_180 = arith.constant 0 : index
    %swap3A_181 = arith.constant 0 : index
    %swap3A_182 = arith.constant 0 : index
    %swap3A_183 = vector.load %arg12[%swap3A_179, %swap3A_180, %swap3A_181, %swap3A_182] : memref<1x3x512x64xf32, #tpu.memory_space<vmem>>, vector<1x1x512x64xf32>
    %swap3A_184 = vector.shape_cast %swap3A_183 : vector<1x1x512x64xf32> to vector<512x64xf32>
    %swap3A_185 = vector.shape_cast %dot_general3A_178 : vector<512x64xf32> to vector<1x1x512x64xf32>
    tpu.vector_store %arg12[%swap3A_179, %swap3A_180, %swap3A_181, %swap3A_182], %swap3A_185 {strides = array<i32>} : memref<1x3x512x64xf32, #tpu.memory_space<vmem>>, vector<1x1x512x64xf32>,
    %get3A_186 = arith.constant 0 : index
    %get3A_187 = arith.constant 1 : index
    %get3A_188 = arith.constant 0 : index
    %get3A_189 = arith.constant 0 : index
    %get3A_190 = vector.load %arg3[%get3A_186, %get3A_187, %get3A_188, %get3A_189] : memref<1x3x512x64xf32, #tpu.memory_space<vmem>>, vector<1x1x512x64xf32>
    %get3A_191 = vector.shape_cast %get3A_190 : vector<1x1x512x64xf32> to vector<512x64xf32>
    %dot_general3A_192 = arith.constant dense<0.000000e+00> : vector<512x64xf32>
    %dot_general3A_193 = tpu.matmul %get3A_191, %get3A_170, %dot_general3A_192 {dimension_numbers = #tpu.dot_dimension_numbers<[1], [1], [0], [0], [0, 0, 1, 0], [], []>, transpose_lhs_hint = false} : vector<512x64xf32>, vector<64x64xf32>, vector<512x64xf32> -> vector<512x64xf32>
    %swap3A_194 = arith.constant 0 : index
    %swap3A_195 = arith.constant 1 : index
    %swap3A_196 = arith.constant 0 : index
    %swap3A_197 = arith.constant 0 : index
    %swap3A_198 = vector.load %arg12[%swap3A_194, %swap3A_195, %swap3A_196, %swap3A_197] : memref<1x3x512x64xf32, #tpu.memory_space<vmem>>, vector<1x1x512x64xf32>
    %swap3A_199 = vector.shape_cast %swap3A_198 : vector<1x1x512x64xf32> to vector<512x64xf32>
    %swap3A_200 = vector.shape_cast %dot_general3A_193 : vector<512x64xf32> to vector<1x1x512x64xf32>
    tpu.vector_store %arg12[%swap3A_194, %swap3A_195, %swap3A_196, %swap3A_197], %swap3A_200 {strides = array<i32>} : memref<1x3x512x64xf32, #tpu.memory_space<vmem>>, vector<1x1x512x64xf32>,
    %get3A_201 = arith.constant 0 : index
    %get3A_202 = arith.constant 2 : index
    %get3A_203 = arith.constant 0 : index
    %get3A_204 = arith.constant 0 : index
    %get3A_205 = vector.load %arg3[%get3A_201, %get3A_202, %get3A_203, %get3A_204] : memref<1x3x512x64xf32, #tpu.memory_space<vmem>>, vector<1x1x512x64xf32>
    %get3A_206 = vector.shape_cast %get3A_205 : vector<1x1x512x64xf32> to vector<512x64xf32>
    %dot_general3A_207 = arith.constant dense<0.000000e+00> : vector<512x64xf32>
    %dot_general3A_208 = tpu.matmul %get3A_206, %get3A_170, %dot_general3A_207 {dimension_numbers = #tpu.dot_dimension_numbers<[1], [1], [0], [0], [0, 0, 1, 0], [], []>, transpose_lhs_hint = false} : vector<512x64xf32>, vector<64x64xf32>, vector<512x64xf32> -> vector<512x64xf32>
    %swap3A_209 = arith.constant 0 : index
    %swap3A_210 = arith.constant 2 : index
    %swap3A_211 = arith.constant 0 : index
    %swap3A_212 = arith.constant 0 : index
    %swap3A_213 = vector.load %arg12[%swap3A_209, %swap3A_210, %swap3A_211, %swap3A_212] : memref<1x3x512x64xf32, #tpu.memory_space<vmem>>, vector<1x1x512x64xf32>
    %swap3A_214 = vector.shape_cast %swap3A_213 : vector<1x1x512x64xf32> to vector<512x64xf32>
    %swap3A_215 = vector.shape_cast %dot_general3A_208 : vector<512x64xf32> to vector<1x1x512x64xf32>
    tpu.vector_store %arg12[%swap3A_209, %swap3A_210, %swap3A_211, %swap3A_212], %swap3A_215 {strides = array<i32>} : memref<1x3x512x64xf32, #tpu.memory_space<vmem>>, vector<1x1x512x64xf32>,
    %get3A_216 = arith.constant 0 : index
    %get3A_217 = arith.constant 0 : index
    %get3A_218 = vector.load %arg8[%get3A_216, %get3A_217] : memref<64x64xf32, #tpu.memory_space<vmem>>, vector<64x64xf32>
    %get3A_219 = arith.constant 0 : index
    %get3A_220 = arith.constant 0 : index
    %get3A_221 = arith.constant 0 : index
    %get3A_222 = arith.constant 0 : index
    %get3A_223 = vector.load %arg3[%get3A_219, %get3A_220, %get3A_221, %get3A_222] : memref<1x3x512x64xf32, #tpu.memory_space<vmem>>, vector<1x1x512x64xf32>
    %get3A_224 = vector.shape_cast %get3A_223 : vector<1x1x512x64xf32> to vector<512x64xf32>
    %dot_general3A_225 = arith.constant dense<0.000000e+00> : vector<512x64xf32>
    %dot_general3A_226 = tpu.matmul %get3A_224, %get3A_218, %dot_general3A_225 {dimension_numbers = #tpu.dot_dimension_numbers<[1], [1], [0], [0], [0, 0, 1, 0], [], []>, transpose_lhs_hint = false} : vector<512x64xf32>, vector<64x64xf32>, vector<512x64xf32> -> vector<512x64xf32>
    %swap3A_227 = arith.constant 0 : index
    %swap3A_228 = arith.constant 0 : index
    %swap3A_229 = arith.constant 0 : index
    %swap3A_230 = arith.constant 0 : index
    %swap3A_231 = vector.load %arg13[%swap3A_227, %swap3A_228, %swap3A_229, %swap3A_230] : memref<1x3x512x64xf32, #tpu.memory_space<vmem>>, vector<1x1x512x64xf32>
    %swap3A_232 = vector.shape_cast %swap3A_231 : vector<1x1x512x64xf32> to vector<512x64xf32>
    %swap3A_233 = vector.shape_cast %dot_general3A_226 : vector<512x64xf32> to vector<1x1x512x64xf32>
    tpu.vector_store %arg13[%swap3A_227, %swap3A_228, %swap3A_229, %swap3A_230], %swap3A_233 {strides = array<i32>} : memref<1x3x512x64xf32, #tpu.memory_space<vmem>>, vector<1x1x512x64xf32>,
    %get3A_234 = arith.constant 0 : index
    %get3A_235 = arith.constant 1 : index
    %get3A_236 = arith.constant 0 : index
    %get3A_237 = arith.constant 0 : index
    %get3A_238 = vector.load %arg3[%get3A_234, %get3A_235, %get3A_236, %get3A_237] : memref<1x3x512x64xf32, #tpu.memory_space<vmem>>, vector<1x1x512x64xf32>
    %get3A_239 = vector.shape_cast %get3A_238 : vector<1x1x512x64xf32> to vector<512x64xf32>
    %dot_general3A_240 = arith.constant dense<0.000000e+00> : vector<512x64xf32>
    %dot_general3A_241 = tpu.matmul %get3A_239, %get3A_218, %dot_general3A_240 {dimension_numbers = #tpu.dot_dimension_numbers<[1], [1], [0], [0], [0, 0, 1, 0], [], []>, transpose_lhs_hint = false} : vector<512x64xf32>, vector<64x64xf32>, vector<512x64xf32> -> vector<512x64xf32>
    %swap3A_242 = arith.constant 0 : index
    %swap3A_243 = arith.constant 1 : index
    %swap3A_244 = arith.constant 0 : index
    %swap3A_245 = arith.constant 0 : index
    %swap3A_246 = vector.load %arg13[%swap3A_242, %swap3A_243, %swap3A_244, %swap3A_245] : memref<1x3x512x64xf32, #tpu.memory_space<vmem>>, vector<1x1x512x64xf32>
    %swap3A_247 = vector.shape_cast %swap3A_246 : vector<1x1x512x64xf32> to vector<512x64xf32>
    %swap3A_248 = vector.shape_cast %dot_general3A_241 : vector<512x64xf32> to vector<1x1x512x64xf32>
    tpu.vector_store %arg13[%swap3A_242, %swap3A_243, %swap3A_244, %swap3A_245], %swap3A_248 {strides = array<i32>} : memref<1x3x512x64xf32, #tpu.memory_space<vmem>>, vector<1x1x512x64xf32>,
    %get3A_249 = arith.constant 0 : index
    %get3A_250 = arith.constant 2 : index
    %get3A_251 = arith.constant 0 : index
    %get3A_252 = arith.constant 0 : index
    %get3A_253 = vector.load %arg3[%get3A_249, %get3A_250, %get3A_251, %get3A_252] : memref<1x3x512x64xf32, #tpu.memory_space<vmem>>, vector<1x1x512x64xf32>
    %get3A_254 = vector.shape_cast %get3A_253 : vector<1x1x512x64xf32> to vector<512x64xf32>
    %dot_general3A_255 = arith.constant dense<0.000000e+00> : vector<512x64xf32>
    %dot_general3A_256 = tpu.matmul %get3A_254, %get3A_218, %dot_general3A_255 {dimension_numbers = #tpu.dot_dimension_numbers<[1], [1], [0], [0], [0, 0, 1, 0], [], []>, transpose_lhs_hint = false} : vector<512x64xf32>, vector<64x64xf32>, vector<512x64xf32> -> vector<512x64xf32>
    %swap3A_257 = arith.constant 0 : index
    %swap3A_258 = arith.constant 2 : index
    %swap3A_259 = arith.constant 0 : index
    %swap3A_260 = arith.constant 0 : index
    %swap3A_261 = vector.load %arg13[%swap3A_257, %swap3A_258, %swap3A_259, %swap3A_260] : memref<1x3x512x64xf32, #tpu.memory_space<vmem>>, vector<1x1x512x64xf32>
    %swap3A_262 = vector.shape_cast %swap3A_261 : vector<1x1x512x64xf32> to vector<512x64xf32>
    %swap3A_263 = vector.shape_cast %dot_general3A_256 : vector<512x64xf32> to vector<1x1x512x64xf32>
    tpu.vector_store %arg13[%swap3A_257, %swap3A_258, %swap3A_259, %swap3A_260], %swap3A_263 {strides = array<i32>} : memref<1x3x512x64xf32, #tpu.memory_space<vmem>>, vector<1x1x512x64xf32>,
    %get3A_264 = arith.constant 0 : index
    %get3A_265 = arith.constant 0 : index
    %get3A_266 = vector.load %arg9[%get3A_264, %get3A_265] : memref<64x64xf32, #tpu.memory_space<vmem>>, vector<64x64xf32>
    %get3A_267 = arith.constant 0 : index
    %get3A_268 = arith.constant 0 : index
    %get3A_269 = arith.constant 0 : index
    %get3A_270 = arith.constant 0 : index
    %get3A_271 = vector.load %arg3[%get3A_267, %get3A_268, %get3A_269, %get3A_270] : memref<1x3x512x64xf32, #tpu.memory_space<vmem>>, vector<1x1x512x64xf32>
    %get3A_272 = vector.shape_cast %get3A_271 : vector<1x1x512x64xf32> to vector<512x64xf32>
    %dot_general3A_273 = arith.constant dense<0.000000e+00> : vector<512x64xf32>
    %dot_general3A_274 = tpu.matmul %get3A_272, %get3A_266, %dot_general3A_273 {dimension_numbers = #tpu.dot_dimension_numbers<[1], [1], [0], [0], [0, 0, 1, 0], [], []>, transpose_lhs_hint = false} : vector<512x64xf32>, vector<64x64xf32>, vector<512x64xf32> -> vector<512x64xf32>
    %swap3A_275 = arith.constant 0 : index
    %swap3A_276 = arith.constant 0 : index
    %swap3A_277 = arith.constant 0 : index
    %swap3A_278 = arith.constant 0 : index
    %swap3A_279 = vector.load %arg14[%swap3A_275, %swap3A_276, %swap3A_277, %swap3A_278] : memref<1x3x512x64xf32, #tpu.memory_space<vmem>>, vector<1x1x512x64xf32>
    %swap3A_280 = vector.shape_cast %swap3A_279 : vector<1x1x512x64xf32> to vector<512x64xf32>
    %swap3A_281 = vector.shape_cast %dot_general3A_274 : vector<512x64xf32> to vector<1x1x512x64xf32>
    tpu.vector_store %arg14[%swap3A_275, %swap3A_276, %swap3A_277, %swap3A_278], %swap3A_281 {strides = array<i32>} : memref<1x3x512x64xf32, #tpu.memory_space<vmem>>, vector<1x1x512x64xf32>,
    %get3A_282 = arith.constant 0 : index
    %get3A_283 = arith.constant 1 : index
    %get3A_284 = arith.constant 0 : index
    %get3A_285 = arith.constant 0 : index
    %get3A_286 = vector.load %arg3[%get3A_282, %get3A_283, %get3A_284, %get3A_285] : memref<1x3x512x64xf32, #tpu.memory_space<vmem>>, vector<1x1x512x64xf32>
    %get3A_287 = vector.shape_cast %get3A_286 : vector<1x1x512x64xf32> to vector<512x64xf32>
    %dot_general3A_288 = arith.constant dense<0.000000e+00> : vector<512x64xf32>
    %dot_general3A_289 = tpu.matmul %get3A_287, %get3A_266, %dot_general3A_288 {dimension_numbers = #tpu.dot_dimension_numbers<[1], [1], [0], [0], [0, 0, 1, 0], [], []>, transpose_lhs_hint = false} : vector<512x64xf32>, vector<64x64xf32>, vector<512x64xf32> -> vector<512x64xf32>
    %swap3A_290 = arith.constant 0 : index
    %swap3A_291 = arith.constant 1 : index
    %swap3A_292 = arith.constant 0 : index
    %swap3A_293 = arith.constant 0 : index
    %swap3A_294 = vector.load %arg14[%swap3A_290, %swap3A_291, %swap3A_292, %swap3A_293] : memref<1x3x512x64xf32, #tpu.memory_space<vmem>>, vector<1x1x512x64xf32>
    %swap3A_295 = vector.shape_cast %swap3A_294 : vector<1x1x512x64xf32> to vector<512x64xf32>
    %swap3A_296 = vector.shape_cast %dot_general3A_289 : vector<512x64xf32> to vector<1x1x512x64xf32>
    tpu.vector_store %arg14[%swap3A_290, %swap3A_291, %swap3A_292, %swap3A_293], %swap3A_296 {strides = array<i32>} : memref<1x3x512x64xf32, #tpu.memory_space<vmem>>, vector<1x1x512x64xf32>,
    %get3A_297 = arith.constant 0 : index
    %get3A_298 = arith.constant 2 : index
    %get3A_299 = arith.constant 0 : index
    %get3A_300 = arith.constant 0 : index
    %get3A_301 = vector.load %arg3[%get3A_297, %get3A_298, %get3A_299, %get3A_300] : memref<1x3x512x64xf32, #tpu.memory_space<vmem>>, vector<1x1x512x64xf32>
    %get3A_302 = vector.shape_cast %get3A_301 : vector<1x1x512x64xf32> to vector<512x64xf32>
    %dot_general3A_303 = arith.constant dense<0.000000e+00> : vector<512x64xf32>
    %dot_general3A_304 = tpu.matmul %get3A_302, %get3A_266, %dot_general3A_303 {dimension_numbers = #tpu.dot_dimension_numbers<[1], [1], [0], [0], [0, 0, 1, 0], [], []>, transpose_lhs_hint = false} : vector<512x64xf32>, vector<64x64xf32>, vector<512x64xf32> -> vector<512x64xf32>
    %swap3A_305 = arith.constant 0 : index
    %swap3A_306 = arith.constant 2 : index
    %swap3A_307 = arith.constant 0 : index
    %swap3A_308 = arith.constant 0 : index
    %swap3A_309 = vector.load %arg14[%swap3A_305, %swap3A_306, %swap3A_307, %swap3A_308] : memref<1x3x512x64xf32, #tpu.memory_space<vmem>>, vector<1x1x512x64xf32>
    %swap3A_310 = vector.shape_cast %swap3A_309 : vector<1x1x512x64xf32> to vector<512x64xf32>
    %swap3A_311 = vector.shape_cast %dot_general3A_304 : vector<512x64xf32> to vector<1x1x512x64xf32>
    tpu.vector_store %arg14[%swap3A_305, %swap3A_306, %swap3A_307, %swap3A_308], %swap3A_311 {strides = array<i32>} : memref<1x3x512x64xf32, #tpu.memory_space<vmem>>, vector<1x1x512x64xf32>,
    return
  }
  func.func @transform_0(%arg0: i32, %arg1: i32) -> (i32, i32, i32, i32) {
    %c0_i32 = arith.constant 0 : i32
    %c0_i32_0 = arith.constant 0 : i32
    %c0_i32_1 = arith.constant 0 : i32
    return %arg0, %c0_i32, %arg1, %c0_i32_0 : i32, i32, i32, i32
  }
  func.func @transform_1(%arg0: i32, %arg1: i32) -> (i32, i32, i32, i32) {
    %c0_i32 = arith.constant 0 : i32
    %c0_i32_0 = arith.constant 0 : i32
    %c0_i32_1 = arith.constant 0 : i32
    return %arg0, %c0_i32, %arg1, %c0_i32_0 : i32, i32, i32, i32
  }
  func.func @transform_2(%arg0: i32, %arg1: i32) -> (i32, i32) {
    %c0_i32 = arith.constant 0 : i32
    %c0_i32_0 = arith.constant 0 : i32
    %c0_i32_1 = arith.constant 0 : i32
    return %c0_i32, %c0_i32_0 : i32, i32
  }
  func.func @transform_3(%arg0: i32, %arg1: i32) -> (i32, i32) {
    %c0_i32 = arith.constant 0 : i32
    %c0_i32_0 = arith.constant 0 : i32
    %c0_i32_1 = arith.constant 0 : i32
    return %c0_i32, %c0_i32_0 : i32, i32
  }
  func.func @transform_4(%arg0: i32, %arg1: i32) -> (i32, i32) {
    %c0_i32 = arith.constant 0 : i32
    %c0_i32_0 = arith.constant 0 : i32
    %c0_i32_1 = arith.constant 0 : i32
    return %c0_i32, %c0_i32_0 : i32, i32
  }
  func.func @transform_5(%arg0: i32, %arg1: i32) -> (i32, i32) {
    %c0_i32 = arith.constant 0 : i32
    %c0_i32_0 = arith.constant 0 : i32
    %c0_i32_1 = arith.constant 0 : i32
    return %c0_i32, %c0_i32_0 : i32, i32
  }
  func.func @transform_6(%arg0: i32, %arg1: i32) -> (i32, i32) {
    %c0_i32 = arith.constant 0 : i32
    %c0_i32_0 = arith.constant 0 : i32
    %c0_i32_1 = arith.constant 0 : i32
    return %c0_i32, %c0_i32_0 : i32, i32
  }
  func.func @transform_7(%arg0: i32, %arg1: i32) -> (i32, i32) {
    %c0_i32 = arith.constant 0 : i32
    %c0_i32_0 = arith.constant 0 : i32
    %c0_i32_1 = arith.constant 0 : i32
    return %c0_i32, %c0_i32_0 : i32, i32
  }
  func.func @transform_8(%arg0: i32, %arg1: i32) -> (i32, i32, i32, i32) {
    %c0_i32 = arith.constant 0 : i32
    %c0_i32_0 = arith.constant 0 : i32
    %c0_i32_1 = arith.constant 0 : i32
    return %arg0, %c0_i32, %arg1, %c0_i32_0 : i32, i32, i32, i32
  }
  func.func @transform_9(%arg0: i32, %arg1: i32) -> (i32, i32, i32, i32) {
    %c0_i32 = arith.constant 0 : i32
    %c0_i32_0 = arith.constant 0 : i32
    %c0_i32_1 = arith.constant 0 : i32
    return %arg0, %c0_i32, %arg1, %c0_i32_0 : i32, i32, i32, i32
  }
  func.func @transform_10(%arg0: i32, %arg1: i32) -> (i32, i32, i32, i32) {
    %c0_i32 = arith.constant 0 : i32
    %c0_i32_0 = arith.constant 0 : i32
    %c0_i32_1 = arith.constant 0 : i32
    return %arg0, %c0_i32, %arg1, %c0_i32_0 : i32, i32, i32, i32
  }
  func.func @transform_11(%arg0: i32, %arg1: i32) -> (i32, i32, i32, i32) {
    %c0_i32 = arith.constant 0 : i32
    %c0_i32_0 = arith.constant 0 : i32
    %c0_i32_1 = arith.constant 0 : i32
    return %arg0, %c0_i32, %arg1, %c0_i32_0 : i32, i32, i32, i32
  }
  func.func @transform_12(%arg0: i32, %arg1: i32) -> (i32, i32, i32, i32) {
    %c0_i32 = arith.constant 0 : i32
    %c0_i32_0 = arith.constant 0 : i32
    %c0_i32_1 = arith.constant 0 : i32
    return %arg0, %c0_i32, %arg1, %c0_i32_0 : i32, i32, i32, i32
  }
}

module attributes {stable_mosaic.version = 14 : i64} {
  func.func @_attend_body(%arg0: i32, %arg1: i32, %arg2: memref<1x8x1x256x128xf32, #tpu.memory_space<vmem>>, %arg3: memref<1x8x1x256x128xf32, #tpu.memory_space<vmem>>, %arg4: memref<1x8x1x256x128xf32, #tpu.memory_space<vmem>>, %arg5: memref<1x3x256x64xf32, #tpu.memory_space<vmem>>, %arg6: memref<1x3x256x64xf32, #tpu.memory_space<vmem>>, %arg7: memref<1x3x256x64xf32, #tpu.memory_space<vmem>>, %arg8: memref<1x3x256x64xf32, #tpu.memory_space<vmem>>, %arg9: memref<1x3x256x64xf32, #tpu.memory_space<vmem>>, %arg10: memref<1x3x256x64xf32, #tpu.memory_space<vmem>>, %arg11: memref<128x128xf32, #tpu.memory_space<vmem>>, %arg12: memref<128x128xf32, #tpu.memory_space<vmem>>, %arg13: memref<128x128xf32, #tpu.memory_space<vmem>>, %arg14: memref<128x128xf32, #tpu.memory_space<vmem>>, %arg15: memref<1x3x256x64xf32, #tpu.memory_space<vmem>>) attributes {dimension_semantics = [#tpu.dimension_semantics<arbitrary>, #tpu.dimension_semantics<arbitrary>], iteration_bounds = array<i64: 4, 8>, scalar_prefetch = 0 : i64, scratch_operands = 0 : i64, tpu.core_type = #tpu.core_type<tc>, window_params = [{transform_indices = @transform_0, window_bounds = array<i64: 1, 8, 1, 256, 128>}, {transform_indices = @transform_1, window_bounds = array<i64: 1, 8, 1, 256, 128>}, {transform_indices = @transform_2, window_bounds = array<i64: 1, 8, 1, 256, 128>}, {transform_indices = @transform_3, window_bounds = array<i64: 1, 3, 256, 64>}, {transform_indices = @transform_4, window_bounds = array<i64: 1, 3, 256, 64>}, {transform_indices = @transform_5, window_bounds = array<i64: 1, 3, 256, 64>}, {transform_indices = @transform_6, window_bounds = array<i64: 1, 3, 256, 64>}, {transform_indices = @transform_7, window_bounds = array<i64: 1, 3, 256, 64>}, {transform_indices = @transform_8, window_bounds = array<i64: 1, 3, 256, 64>}, {pipeline_mode = #tpu.pipeline_mode<synchronous>, transform_indices = @transform_9, window_bounds = array<i64: 128, 128>}, {pipeline_mode = #tpu.pipeline_mode<synchronous>, transform_indices = @transform_10, window_bounds = array<i64: 128, 128>}, {pipeline_mode = #tpu.pipeline_mode<synchronous>, transform_indices = @transform_11, window_bounds = array<i64: 128, 128>}, {pipeline_mode = #tpu.pipeline_mode<synchronous>, transform_indices = @transform_12, window_bounds = array<i64: 128, 128>}, {transform_indices = @transform_13, window_bounds = array<i64: 1, 3, 256, 64>}]} {
    %get3A = arith.constant 0 : index
    %get3A_0 = arith.constant 0 : index
    %get3A_1 = vector.load %arg11[%get3A, %get3A_0] : memref<128x128xf32, #tpu.memory_space<vmem>>, vector<128x128xf32>
    %get3A_2 = arith.constant 0 : index
    %get3A_3 = arith.constant 0 : index
    %get3A_4 = vector.load %arg12[%get3A_2, %get3A_3] : memref<128x128xf32, #tpu.memory_space<vmem>>, vector<128x128xf32>
    %get3A_5 = arith.constant 0 : index
    %get3A_6 = arith.constant 0 : index
    %get3A_7 = vector.load %arg13[%get3A_5, %get3A_6] : memref<128x128xf32, #tpu.memory_space<vmem>>, vector<128x128xf32>
    %get3A_8 = arith.constant 0 : index
    %get3A_9 = arith.constant 0 : index
    %get3A_10 = vector.load %arg14[%get3A_8, %get3A_9] : memref<128x128xf32, #tpu.memory_space<vmem>>, vector<128x128xf32>
    %get3A_11 = arith.constant 0 : index
    %get3A_12 = arith.constant 0 : index
    %get3A_13 = arith.constant 0 : index
    %get3A_14 = arith.constant 0 : index
    %get3A_15 = arith.constant 0 : index
    %get3A_16 = vector.load %arg2[%get3A_11, %get3A_12, %get3A_13, %get3A_14, %get3A_15] : memref<1x8x1x256x128xf32, #tpu.memory_space<vmem>>, vector<1x8x1x256x128xf32>
    %get3A_17 = vector.shape_cast %get3A_16 : vector<1x8x1x256x128xf32> to vector<8x256x128xf32>
    %reshape3A = vector.shape_cast %get3A_17 : vector<8x256x128xf32> to vector<2048x128xf32>
    %dot_general3A = arith.constant dense<0.000000e+00> : vector<2048x128xf32>
    %dot_general3A_18 = tpu.matmul %reshape3A, %get3A_1, %dot_general3A {dimension_numbers = #tpu.dot_dimension_numbers<[1], [1], [0], [0], [0, 0, 1, 0], [], []>, transpose_lhs_hint = false} : vector<2048x128xf32>, vector<128x128xf32>, vector<2048x128xf32> -> vector<2048x128xf32>
    %reshape3A_19 = vector.shape_cast %dot_general3A_18 : vector<2048x128xf32> to vector<8x256x128xf32>
    %get3A_20 = arith.constant 0 : index
    %get3A_21 = arith.constant 0 : index
    %get3A_22 = arith.constant 0 : index
    %get3A_23 = arith.constant 0 : index
    %get3A_24 = vector.load %arg5[%get3A_20, %get3A_21, %get3A_22, %get3A_23] : memref<1x3x256x64xf32, #tpu.memory_space<vmem>>, vector<1x1x256x64xf32>
    %get3A_25 = vector.shape_cast %get3A_24 : vector<1x1x256x64xf32> to vector<256x64xf32>
    %concatenate3A = tpu.concatenate %get3A_25, %get3A_25 in 1 : vector<256x64xf32>, vector<256x64xf32> -> vector<256x128xf32>
    %reshape3A_26 = vector.shape_cast %concatenate3A : vector<256x128xf32> to vector<1x256x128xf32>
    %add3A = vector.broadcast %reshape3A_26 : vector<1x256x128xf32> to vector<8x256x128xf32>
    %add3A_27 = arith.addf %reshape3A_19, %add3A : vector<8x256x128xf32>
    %dot_general3A_28 = arith.constant dense<0.000000e+00> : vector<2048x128xf32>
    %dot_general3A_29 = tpu.matmul %reshape3A, %get3A_4, %dot_general3A_28 {dimension_numbers = #tpu.dot_dimension_numbers<[1], [1], [0], [0], [0, 0, 1, 0], [], []>, transpose_lhs_hint = false} : vector<2048x128xf32>, vector<128x128xf32>, vector<2048x128xf32> -> vector<2048x128xf32>
    %reshape3A_30 = vector.shape_cast %dot_general3A_29 : vector<2048x128xf32> to vector<8x256x128xf32>
    %get3A_31 = arith.constant 0 : index
    %get3A_32 = arith.constant 0 : index
    %get3A_33 = arith.constant 0 : index
    %get3A_34 = arith.constant 0 : index
    %get3A_35 = vector.load %arg6[%get3A_31, %get3A_32, %get3A_33, %get3A_34] : memref<1x3x256x64xf32, #tpu.memory_space<vmem>>, vector<1x1x256x64xf32>
    %get3A_36 = vector.shape_cast %get3A_35 : vector<1x1x256x64xf32> to vector<256x64xf32>
    %concatenate3A_37 = tpu.concatenate %get3A_36, %get3A_36 in 1 : vector<256x64xf32>, vector<256x64xf32> -> vector<256x128xf32>
    %reshape3A_38 = vector.shape_cast %concatenate3A_37 : vector<256x128xf32> to vector<1x256x128xf32>
    %add3A_39 = vector.broadcast %reshape3A_38 : vector<1x256x128xf32> to vector<8x256x128xf32>
    %add3A_40 = arith.addf %reshape3A_30, %add3A_39 : vector<8x256x128xf32>
    %dot_general3A_41 = arith.constant dense<0.000000e+00> : vector<2048x128xf32>
    %dot_general3A_42 = tpu.matmul %reshape3A, %get3A_7, %dot_general3A_41 {dimension_numbers = #tpu.dot_dimension_numbers<[1], [1], [0], [0], [0, 0, 1, 0], [], []>, transpose_lhs_hint = false} : vector<2048x128xf32>, vector<128x128xf32>, vector<2048x128xf32> -> vector<2048x128xf32>
    %reshape3A_43 = vector.shape_cast %dot_general3A_42 : vector<2048x128xf32> to vector<8x256x128xf32>
    %get3A_44 = arith.constant 0 : index
    %get3A_45 = arith.constant 0 : index
    %get3A_46 = arith.constant 0 : index
    %get3A_47 = arith.constant 0 : index
    %get3A_48 = vector.load %arg7[%get3A_44, %get3A_45, %get3A_46, %get3A_47] : memref<1x3x256x64xf32, #tpu.memory_space<vmem>>, vector<1x1x256x64xf32>
    %get3A_49 = vector.shape_cast %get3A_48 : vector<1x1x256x64xf32> to vector<256x64xf32>
    %concatenate3A_50 = tpu.concatenate %get3A_49, %get3A_49 in 1 : vector<256x64xf32>, vector<256x64xf32> -> vector<256x128xf32>
    %reshape3A_51 = vector.shape_cast %concatenate3A_50 : vector<256x128xf32> to vector<1x256x128xf32>
    %add3A_52 = vector.broadcast %reshape3A_51 : vector<1x256x128xf32> to vector<8x256x128xf32>
    %add3A_53 = arith.addf %reshape3A_43, %add3A_52 : vector<8x256x128xf32>
    %dot_general3A_54 = arith.constant dense<0.000000e+00> : vector<2048x128xf32>
    %dot_general3A_55 = tpu.matmul %reshape3A, %get3A_10, %dot_general3A_54 {dimension_numbers = #tpu.dot_dimension_numbers<[1], [1], [0], [0], [0, 0, 1, 0], [], []>, transpose_lhs_hint = false} : vector<2048x128xf32>, vector<128x128xf32>, vector<2048x128xf32> -> vector<2048x128xf32>
    %reshape3A_56 = vector.shape_cast %dot_general3A_55 : vector<2048x128xf32> to vector<8x256x128xf32>
    %get3A_57 = arith.constant 0 : index
    %get3A_58 = arith.constant 0 : index
    %get3A_59 = arith.constant 0 : index
    %get3A_60 = arith.constant 0 : index
    %get3A_61 = vector.load %arg8[%get3A_57, %get3A_58, %get3A_59, %get3A_60] : memref<1x3x256x64xf32, #tpu.memory_space<vmem>>, vector<1x1x256x64xf32>
    %get3A_62 = vector.shape_cast %get3A_61 : vector<1x1x256x64xf32> to vector<256x64xf32>
    %concatenate3A_63 = tpu.concatenate %get3A_62, %get3A_62 in 1 : vector<256x64xf32>, vector<256x64xf32> -> vector<256x128xf32>
    %reshape3A_64 = vector.shape_cast %concatenate3A_63 : vector<256x128xf32> to vector<1x256x128xf32>
    %add3A_65 = vector.broadcast %reshape3A_64 : vector<1x256x128xf32> to vector<8x256x128xf32>
    %add3A_66 = arith.addf %reshape3A_56, %add3A_65 : vector<8x256x128xf32>
    %get3A_67 = arith.constant 0 : index
    %get3A_68 = arith.constant 0 : index
    %get3A_69 = arith.constant 0 : index
    %get3A_70 = arith.constant 0 : index
    %get3A_71 = arith.constant 0 : index
    %get3A_72 = vector.load %arg3[%get3A_67, %get3A_68, %get3A_69, %get3A_70, %get3A_71] : memref<1x8x1x256x128xf32, #tpu.memory_space<vmem>>, vector<1x8x1x256x128xf32>
    %get3A_73 = vector.shape_cast %get3A_72 : vector<1x8x1x256x128xf32> to vector<8x256x128xf32>
    %reshape3A_74 = vector.shape_cast %get3A_73 : vector<8x256x128xf32> to vector<2048x128xf32>
    %dot_general3A_75 = arith.constant dense<0.000000e+00> : vector<2048x128xf32>
    %dot_general3A_76 = tpu.matmul %reshape3A_74, %get3A_1, %dot_general3A_75 {dimension_numbers = #tpu.dot_dimension_numbers<[1], [1], [0], [0], [0, 0, 1, 0], [], []>, transpose_lhs_hint = false} : vector<2048x128xf32>, vector<128x128xf32>, vector<2048x128xf32> -> vector<2048x128xf32>
    %reshape3A_77 = vector.shape_cast %dot_general3A_76 : vector<2048x128xf32> to vector<8x256x128xf32>
    %get3A_78 = arith.constant 0 : index
    %get3A_79 = arith.constant 1 : index
    %get3A_80 = arith.constant 0 : index
    %get3A_81 = arith.constant 0 : index
    %get3A_82 = vector.load %arg5[%get3A_78, %get3A_79, %get3A_80, %get3A_81] : memref<1x3x256x64xf32, #tpu.memory_space<vmem>>, vector<1x1x256x64xf32>
    %get3A_83 = vector.shape_cast %get3A_82 : vector<1x1x256x64xf32> to vector<256x64xf32>
    %concatenate3A_84 = tpu.concatenate %get3A_83, %get3A_83 in 1 : vector<256x64xf32>, vector<256x64xf32> -> vector<256x128xf32>
    %reshape3A_85 = vector.shape_cast %concatenate3A_84 : vector<256x128xf32> to vector<1x256x128xf32>
    %add3A_86 = vector.broadcast %reshape3A_85 : vector<1x256x128xf32> to vector<8x256x128xf32>
    %add3A_87 = arith.addf %reshape3A_77, %add3A_86 : vector<8x256x128xf32>
    %dot_general3A_88 = arith.constant dense<0.000000e+00> : vector<2048x128xf32>
    %dot_general3A_89 = tpu.matmul %reshape3A_74, %get3A_4, %dot_general3A_88 {dimension_numbers = #tpu.dot_dimension_numbers<[1], [1], [0], [0], [0, 0, 1, 0], [], []>, transpose_lhs_hint = false} : vector<2048x128xf32>, vector<128x128xf32>, vector<2048x128xf32> -> vector<2048x128xf32>
    %reshape3A_90 = vector.shape_cast %dot_general3A_89 : vector<2048x128xf32> to vector<8x256x128xf32>
    %get3A_91 = arith.constant 0 : index
    %get3A_92 = arith.constant 1 : index
    %get3A_93 = arith.constant 0 : index
    %get3A_94 = arith.constant 0 : index
    %get3A_95 = vector.load %arg6[%get3A_91, %get3A_92, %get3A_93, %get3A_94] : memref<1x3x256x64xf32, #tpu.memory_space<vmem>>, vector<1x1x256x64xf32>
    %get3A_96 = vector.shape_cast %get3A_95 : vector<1x1x256x64xf32> to vector<256x64xf32>
    %concatenate3A_97 = tpu.concatenate %get3A_96, %get3A_96 in 1 : vector<256x64xf32>, vector<256x64xf32> -> vector<256x128xf32>
    %reshape3A_98 = vector.shape_cast %concatenate3A_97 : vector<256x128xf32> to vector<1x256x128xf32>
    %add3A_99 = vector.broadcast %reshape3A_98 : vector<1x256x128xf32> to vector<8x256x128xf32>
    %add3A_100 = arith.addf %reshape3A_90, %add3A_99 : vector<8x256x128xf32>
    %dot_general3A_101 = arith.constant dense<0.000000e+00> : vector<2048x128xf32>
    %dot_general3A_102 = tpu.matmul %reshape3A_74, %get3A_7, %dot_general3A_101 {dimension_numbers = #tpu.dot_dimension_numbers<[1], [1], [0], [0], [0, 0, 1, 0], [], []>, transpose_lhs_hint = false} : vector<2048x128xf32>, vector<128x128xf32>, vector<2048x128xf32> -> vector<2048x128xf32>
    %reshape3A_103 = vector.shape_cast %dot_general3A_102 : vector<2048x128xf32> to vector<8x256x128xf32>
    %get3A_104 = arith.constant 0 : index
    %get3A_105 = arith.constant 1 : index
    %get3A_106 = arith.constant 0 : index
    %get3A_107 = arith.constant 0 : index
    %get3A_108 = vector.load %arg7[%get3A_104, %get3A_105, %get3A_106, %get3A_107] : memref<1x3x256x64xf32, #tpu.memory_space<vmem>>, vector<1x1x256x64xf32>
    %get3A_109 = vector.shape_cast %get3A_108 : vector<1x1x256x64xf32> to vector<256x64xf32>
    %concatenate3A_110 = tpu.concatenate %get3A_109, %get3A_109 in 1 : vector<256x64xf32>, vector<256x64xf32> -> vector<256x128xf32>
    %reshape3A_111 = vector.shape_cast %concatenate3A_110 : vector<256x128xf32> to vector<1x256x128xf32>
    %add3A_112 = vector.broadcast %reshape3A_111 : vector<1x256x128xf32> to vector<8x256x128xf32>
    %add3A_113 = arith.addf %reshape3A_103, %add3A_112 : vector<8x256x128xf32>
    %dot_general3A_114 = arith.constant dense<0.000000e+00> : vector<2048x128xf32>
    %dot_general3A_115 = tpu.matmul %reshape3A_74, %get3A_10, %dot_general3A_114 {dimension_numbers = #tpu.dot_dimension_numbers<[1], [1], [0], [0], [0, 0, 1, 0], [], []>, transpose_lhs_hint = false} : vector<2048x128xf32>, vector<128x128xf32>, vector<2048x128xf32> -> vector<2048x128xf32>
    %reshape3A_116 = vector.shape_cast %dot_general3A_115 : vector<2048x128xf32> to vector<8x256x128xf32>
    %get3A_117 = arith.constant 0 : index
    %get3A_118 = arith.constant 1 : index
    %get3A_119 = arith.constant 0 : index
    %get3A_120 = arith.constant 0 : index
    %get3A_121 = vector.load %arg8[%get3A_117, %get3A_118, %get3A_119, %get3A_120] : memref<1x3x256x64xf32, #tpu.memory_space<vmem>>, vector<1x1x256x64xf32>
    %get3A_122 = vector.shape_cast %get3A_121 : vector<1x1x256x64xf32> to vector<256x64xf32>
    %concatenate3A_123 = tpu.concatenate %get3A_122, %get3A_122 in 1 : vector<256x64xf32>, vector<256x64xf32> -> vector<256x128xf32>
    %reshape3A_124 = vector.shape_cast %concatenate3A_123 : vector<256x128xf32> to vector<1x256x128xf32>
    %add3A_125 = vector.broadcast %reshape3A_124 : vector<1x256x128xf32> to vector<8x256x128xf32>
    %add3A_126 = arith.addf %reshape3A_116, %add3A_125 : vector<8x256x128xf32>
    %get3A_127 = arith.constant 0 : index
    %get3A_128 = arith.constant 0 : index
    %get3A_129 = arith.constant 0 : index
    %get3A_130 = arith.constant 0 : index
    %get3A_131 = arith.constant 0 : index
    %get3A_132 = vector.load %arg4[%get3A_127, %get3A_128, %get3A_129, %get3A_130, %get3A_131] : memref<1x8x1x256x128xf32, #tpu.memory_space<vmem>>, vector<1x8x1x256x128xf32>
    %get3A_133 = vector.shape_cast %get3A_132 : vector<1x8x1x256x128xf32> to vector<8x256x128xf32>
    %reshape3A_134 = vector.shape_cast %get3A_133 : vector<8x256x128xf32> to vector<2048x128xf32>
    %dot_general3A_135 = arith.constant dense<0.000000e+00> : vector<2048x128xf32>
    %dot_general3A_136 = tpu.matmul %reshape3A_134, %get3A_1, %dot_general3A_135 {dimension_numbers = #tpu.dot_dimension_numbers<[1], [1], [0], [0], [0, 0, 1, 0], [], []>, transpose_lhs_hint = false} : vector<2048x128xf32>, vector<128x128xf32>, vector<2048x128xf32> -> vector<2048x128xf32>
    %reshape3A_137 = vector.shape_cast %dot_general3A_136 : vector<2048x128xf32> to vector<8x256x128xf32>
    %get3A_138 = arith.constant 0 : index
    %get3A_139 = arith.constant 2 : index
    %get3A_140 = arith.constant 0 : index
    %get3A_141 = arith.constant 0 : index
    %get3A_142 = vector.load %arg5[%get3A_138, %get3A_139, %get3A_140, %get3A_141] : memref<1x3x256x64xf32, #tpu.memory_space<vmem>>, vector<1x1x256x64xf32>
    %get3A_143 = vector.shape_cast %get3A_142 : vector<1x1x256x64xf32> to vector<256x64xf32>
    %concatenate3A_144 = tpu.concatenate %get3A_143, %get3A_143 in 1 : vector<256x64xf32>, vector<256x64xf32> -> vector<256x128xf32>
    %reshape3A_145 = vector.shape_cast %concatenate3A_144 : vector<256x128xf32> to vector<1x256x128xf32>
    %add3A_146 = vector.broadcast %reshape3A_145 : vector<1x256x128xf32> to vector<8x256x128xf32>
    %add3A_147 = arith.addf %reshape3A_137, %add3A_146 : vector<8x256x128xf32>
    %dot_general3A_148 = arith.constant dense<0.000000e+00> : vector<2048x128xf32>
    %dot_general3A_149 = tpu.matmul %reshape3A_134, %get3A_4, %dot_general3A_148 {dimension_numbers = #tpu.dot_dimension_numbers<[1], [1], [0], [0], [0, 0, 1, 0], [], []>, transpose_lhs_hint = false} : vector<2048x128xf32>, vector<128x128xf32>, vector<2048x128xf32> -> vector<2048x128xf32>
    %reshape3A_150 = vector.shape_cast %dot_general3A_149 : vector<2048x128xf32> to vector<8x256x128xf32>
    %get3A_151 = arith.constant 0 : index
    %get3A_152 = arith.constant 2 : index
    %get3A_153 = arith.constant 0 : index
    %get3A_154 = arith.constant 0 : index
    %get3A_155 = vector.load %arg6[%get3A_151, %get3A_152, %get3A_153, %get3A_154] : memref<1x3x256x64xf32, #tpu.memory_space<vmem>>, vector<1x1x256x64xf32>
    %get3A_156 = vector.shape_cast %get3A_155 : vector<1x1x256x64xf32> to vector<256x64xf32>
    %concatenate3A_157 = tpu.concatenate %get3A_156, %get3A_156 in 1 : vector<256x64xf32>, vector<256x64xf32> -> vector<256x128xf32>
    %reshape3A_158 = vector.shape_cast %concatenate3A_157 : vector<256x128xf32> to vector<1x256x128xf32>
    %add3A_159 = vector.broadcast %reshape3A_158 : vector<1x256x128xf32> to vector<8x256x128xf32>
    %add3A_160 = arith.addf %reshape3A_150, %add3A_159 : vector<8x256x128xf32>
    %dot_general3A_161 = arith.constant dense<0.000000e+00> : vector<2048x128xf32>
    %dot_general3A_162 = tpu.matmul %reshape3A_134, %get3A_7, %dot_general3A_161 {dimension_numbers = #tpu.dot_dimension_numbers<[1], [1], [0], [0], [0, 0, 1, 0], [], []>, transpose_lhs_hint = false} : vector<2048x128xf32>, vector<128x128xf32>, vector<2048x128xf32> -> vector<2048x128xf32>
    %reshape3A_163 = vector.shape_cast %dot_general3A_162 : vector<2048x128xf32> to vector<8x256x128xf32>
    %get3A_164 = arith.constant 0 : index
    %get3A_165 = arith.constant 2 : index
    %get3A_166 = arith.constant 0 : index
    %get3A_167 = arith.constant 0 : index
    %get3A_168 = vector.load %arg7[%get3A_164, %get3A_165, %get3A_166, %get3A_167] : memref<1x3x256x64xf32, #tpu.memory_space<vmem>>, vector<1x1x256x64xf32>
    %get3A_169 = vector.shape_cast %get3A_168 : vector<1x1x256x64xf32> to vector<256x64xf32>
    %concatenate3A_170 = tpu.concatenate %get3A_169, %get3A_169 in 1 : vector<256x64xf32>, vector<256x64xf32> -> vector<256x128xf32>
    %reshape3A_171 = vector.shape_cast %concatenate3A_170 : vector<256x128xf32> to vector<1x256x128xf32>
    %add3A_172 = vector.broadcast %reshape3A_171 : vector<1x256x128xf32> to vector<8x256x128xf32>
    %add3A_173 = arith.addf %reshape3A_163, %add3A_172 : vector<8x256x128xf32>
    %dot_general3A_174 = arith.constant dense<0.000000e+00> : vector<2048x128xf32>
    %dot_general3A_175 = tpu.matmul %reshape3A_134, %get3A_10, %dot_general3A_174 {dimension_numbers = #tpu.dot_dimension_numbers<[1], [1], [0], [0], [0, 0, 1, 0], [], []>, transpose_lhs_hint = false} : vector<2048x128xf32>, vector<128x128xf32>, vector<2048x128xf32> -> vector<2048x128xf32>
    %reshape3A_176 = vector.shape_cast %dot_general3A_175 : vector<2048x128xf32> to vector<8x256x128xf32>
    %get3A_177 = arith.constant 0 : index
    %get3A_178 = arith.constant 2 : index
    %get3A_179 = arith.constant 0 : index
    %get3A_180 = arith.constant 0 : index
    %get3A_181 = vector.load %arg8[%get3A_177, %get3A_178, %get3A_179, %get3A_180] : memref<1x3x256x64xf32, #tpu.memory_space<vmem>>, vector<1x1x256x64xf32>
    %get3A_182 = vector.shape_cast %get3A_181 : vector<1x1x256x64xf32> to vector<256x64xf32>
    %concatenate3A_183 = tpu.concatenate %get3A_182, %get3A_182 in 1 : vector<256x64xf32>, vector<256x64xf32> -> vector<256x128xf32>
    %reshape3A_184 = vector.shape_cast %concatenate3A_183 : vector<256x128xf32> to vector<1x256x128xf32>
    %add3A_185 = vector.broadcast %reshape3A_184 : vector<1x256x128xf32> to vector<8x256x128xf32>
    %add3A_186 = arith.addf %reshape3A_176, %add3A_185 : vector<8x256x128xf32>
    %mul3A = arith.mulf %add3A_27, %add3A_40 : vector<8x256x128xf32>
    %add3A_187 = arith.constant 0.000000e+00 : f32
    %add3A_188 = vector.broadcast %add3A_187 : f32 to vector<8x256x128xf32>
    %add3A_189 = arith.addf %add3A_188, %mul3A : vector<8x256x128xf32>
    %mul3A_190 = arith.mulf %add3A_87, %add3A_100 : vector<8x256x128xf32>
    %add3A_191 = arith.addf %add3A_189, %mul3A_190 : vector<8x256x128xf32>
    %mul3A_192 = arith.mulf %add3A_147, %add3A_160 : vector<8x256x128xf32>
    %add3A_193 = arith.addf %add3A_191, %mul3A_192 : vector<8x256x128xf32>
    %mul3A_194 = arith.mulf %add3A_40, %add3A_40 : vector<8x256x128xf32>
    %add3A_195 = arith.constant 0.000000e+00 : f32
    %add3A_196 = vector.broadcast %add3A_195 : f32 to vector<8x256x128xf32>
    %add3A_197 = arith.addf %add3A_196, %mul3A_194 : vector<8x256x128xf32>
    %mul3A_198 = arith.mulf %add3A_100, %add3A_100 : vector<8x256x128xf32>
    %add3A_199 = arith.addf %add3A_197, %mul3A_198 : vector<8x256x128xf32>
    %mul3A_200 = arith.mulf %add3A_160, %add3A_160 : vector<8x256x128xf32>
    %add3A_201 = arith.addf %add3A_199, %mul3A_200 : vector<8x256x128xf32>
    %lt3A = arith.constant 0.000000e+00 : f32
    %lt3A_202 = vector.broadcast %lt3A : f32 to vector<8x256x128xf32>
    %lt3A_203 = arith.cmpf olt, %add3A_193, %lt3A_202 : vector<8x256x128xf32>
    %mul3A_204 = arith.constant 8.000000e-01 : f32
    %mul3A_205 = vector.broadcast %mul3A_204 : f32 to vector<8x256x128xf32>
    %mul3A_206 = arith.mulf %mul3A_205, %add3A_193 : vector<8x256x128xf32>
    %add3A_207 = arith.constant 9.99999997E-7 : f32
    %add3A_208 = vector.broadcast %add3A_207 : f32 to vector<8x256x128xf32>
    %add3A_209 = arith.addf %add3A_201, %add3A_208 : vector<8x256x128xf32>
    %div3A = arith.divf %mul3A_206, %add3A_209 : vector<8x256x128xf32>
    %jit3A = arith.constant 0.000000e+00 : f32
    %broadcast_in_dim3A = vector.broadcast %jit3A : f32 to vector<8x256x128xf32>
    %select_n3A = arith.select %lt3A_203, %div3A, %broadcast_in_dim3A : vector<8x256x128xi1>, vector<8x256x128xf32>
    %mul3A_210 = arith.mulf %select_n3A, %add3A_40 : vector<8x256x128xf32>
    %sub3A = arith.subf %add3A_27, %mul3A_210 : vector<8x256x128xf32>
    %mul3A_211 = arith.mulf %select_n3A, %add3A_100 : vector<8x256x128xf32>
    %sub3A_212 = arith.subf %add3A_87, %mul3A_211 : vector<8x256x128xf32>
    %mul3A_213 = arith.mulf %select_n3A, %add3A_160 : vector<8x256x128xf32>
    %sub3A_214 = arith.subf %add3A_147, %mul3A_213 : vector<8x256x128xf32>
    %mul3A_215 = arith.mulf %add3A_53, %add3A_66 : vector<8x256x128xf32>
    %add3A_216 = arith.constant 0.000000e+00 : f32
    %add3A_217 = vector.broadcast %add3A_216 : f32 to vector<8x256x128xf32>
    %add3A_218 = arith.addf %add3A_217, %mul3A_215 : vector<8x256x128xf32>
    %mul3A_219 = arith.mulf %add3A_113, %add3A_126 : vector<8x256x128xf32>
    %add3A_220 = arith.addf %add3A_218, %mul3A_219 : vector<8x256x128xf32>
    %mul3A_221 = arith.mulf %add3A_173, %add3A_186 : vector<8x256x128xf32>
    %add3A_222 = arith.addf %add3A_220, %mul3A_221 : vector<8x256x128xf32>
    %mul3A_223 = arith.mulf %add3A_66, %add3A_66 : vector<8x256x128xf32>
    %add3A_224 = arith.constant 0.000000e+00 : f32
    %add3A_225 = vector.broadcast %add3A_224 : f32 to vector<8x256x128xf32>
    %add3A_226 = arith.addf %add3A_225, %mul3A_223 : vector<8x256x128xf32>
    %mul3A_227 = arith.mulf %add3A_126, %add3A_126 : vector<8x256x128xf32>
    %add3A_228 = arith.addf %add3A_226, %mul3A_227 : vector<8x256x128xf32>
    %mul3A_229 = arith.mulf %add3A_186, %add3A_186 : vector<8x256x128xf32>
    %add3A_230 = arith.addf %add3A_228, %mul3A_229 : vector<8x256x128xf32>
    %lt3A_231 = arith.constant 0.000000e+00 : f32
    %lt3A_232 = vector.broadcast %lt3A_231 : f32 to vector<8x256x128xf32>
    %lt3A_233 = arith.cmpf olt, %add3A_222, %lt3A_232 : vector<8x256x128xf32>
    %mul3A_234 = arith.constant 8.000000e-01 : f32
    %mul3A_235 = vector.broadcast %mul3A_234 : f32 to vector<8x256x128xf32>
    %mul3A_236 = arith.mulf %mul3A_235, %add3A_222 : vector<8x256x128xf32>
    %add3A_237 = arith.constant 9.99999997E-7 : f32
    %add3A_238 = vector.broadcast %add3A_237 : f32 to vector<8x256x128xf32>
    %add3A_239 = arith.addf %add3A_230, %add3A_238 : vector<8x256x128xf32>
    %div3A_240 = arith.divf %mul3A_236, %add3A_239 : vector<8x256x128xf32>
    %jit3A_241 = arith.constant 0.000000e+00 : f32
    %broadcast_in_dim3A_242 = vector.broadcast %jit3A_241 : f32 to vector<8x256x128xf32>
    %select_n3A_243 = arith.select %lt3A_233, %div3A_240, %broadcast_in_dim3A_242 : vector<8x256x128xi1>, vector<8x256x128xf32>
    %mul3A_244 = arith.mulf %select_n3A_243, %add3A_66 : vector<8x256x128xf32>
    %sub3A_245 = arith.subf %add3A_53, %mul3A_244 : vector<8x256x128xf32>
    %mul3A_246 = arith.mulf %select_n3A_243, %add3A_126 : vector<8x256x128xf32>
    %sub3A_247 = arith.subf %add3A_113, %mul3A_246 : vector<8x256x128xf32>
    %mul3A_248 = arith.mulf %select_n3A_243, %add3A_186 : vector<8x256x128xf32>
    %sub3A_249 = arith.subf %add3A_173, %mul3A_248 : vector<8x256x128xf32>
    %mul3A_250 = arith.mulf %sub3A, %sub3A : vector<8x256x128xf32>
    %add3A_251 = arith.constant 0.000000e+00 : f32
    %add3A_252 = vector.broadcast %add3A_251 : f32 to vector<8x256x128xf32>
    %add3A_253 = arith.addf %add3A_252, %mul3A_250 : vector<8x256x128xf32>
    %mul3A_254 = arith.mulf %sub3A_212, %sub3A_212 : vector<8x256x128xf32>
    %add3A_255 = arith.addf %add3A_253, %mul3A_254 : vector<8x256x128xf32>
    %mul3A_256 = arith.mulf %sub3A_214, %sub3A_214 : vector<8x256x128xf32>
    %add3A_257 = arith.addf %add3A_255, %mul3A_256 : vector<8x256x128xf32>
    %iota3A = tpu.iota {dimensions = array<i32: 0>} : vector<128x128xi32>
    %iota3A_258 = tpu.iota {dimensions = array<i32: 1>} : vector<128x128xi32>
    %jit3A_259 = arith.constant 64 : i32
    %div3A_260 = vector.broadcast %jit3A_259 : i32 to vector<128x128xi32>
    %div3A_261 = arith.divsi %iota3A, %div3A_260 : vector<128x128xi32>
    %sign3A = arith.constant 0 : i32
    %sign3A_262 = vector.broadcast %sign3A : i32 to vector<128x128xi32>
    %sign3A_263 = arith.cmpi sgt, %iota3A, %sign3A_262 : vector<128x128xi32>
    %sign3A_264 = arith.extui %sign3A_263 : vector<128x128xi1> to vector<128x128xi32>
    %sign3A_265 = arith.constant 0 : i32
    %sign3A_266 = vector.broadcast %sign3A_265 : i32 to vector<128x128xi32>
    %sign3A_267 = arith.cmpi slt, %iota3A, %sign3A_266 : vector<128x128xi32>
    %sign3A_268 = arith.extui %sign3A_267 : vector<128x128xi1> to vector<128x128xi32>
    %sign3A_269 = arith.subi %sign3A_264, %sign3A_268 : vector<128x128xi32>
    %sign3A_270 = arith.constant 0 : i32
    %sign3A_271 = arith.cmpi sgt, %jit3A_259, %sign3A_270 : i32
    %sign3A_272 = arith.extui %sign3A_271 : i1 to i32
    %sign3A_273 = arith.constant 0 : i32
    %sign3A_274 = arith.cmpi slt, %jit3A_259, %sign3A_273 : i32
    %sign3A_275 = arith.extui %sign3A_274 : i1 to i32
    %sign3A_276 = arith.subi %sign3A_272, %sign3A_275 : i32
    %ne3A = vector.broadcast %sign3A_276 : i32 to vector<128x128xi32>
    %ne3A_277 = arith.cmpi ne, %sign3A_269, %ne3A : vector<128x128xi32>
    %rem3A = vector.broadcast %jit3A_259 : i32 to vector<128x128xi32>
    %rem3A_278 = arith.remsi %iota3A, %rem3A : vector<128x128xi32>
    %ne3A_279 = arith.constant 0 : i32
    %ne3A_280 = vector.broadcast %ne3A_279 : i32 to vector<128x128xi32>
    %ne3A_281 = arith.cmpi ne, %rem3A_278, %ne3A_280 : vector<128x128xi32>
    %and3A = arith.andi %ne3A_277, %ne3A_281 : vector<128x128xi1>
    %sub3A_282 = arith.constant 1 : i32
    %sub3A_283 = vector.broadcast %sub3A_282 : i32 to vector<128x128xi32>
    %sub3A_284 = arith.subi %div3A_261, %sub3A_283 : vector<128x128xi32>
    %select_n3A_285 = arith.select %and3A, %sub3A_284, %div3A_261 : vector<128x128xi1>, vector<128x128xi32>
    %jit3A_286 = arith.constant 64 : i32
    %div3A_287 = vector.broadcast %jit3A_286 : i32 to vector<128x128xi32>
    %div3A_288 = arith.divsi %iota3A_258, %div3A_287 : vector<128x128xi32>
    %sign3A_289 = arith.constant 0 : i32
    %sign3A_290 = vector.broadcast %sign3A_289 : i32 to vector<128x128xi32>
    %sign3A_291 = arith.cmpi sgt, %iota3A_258, %sign3A_290 : vector<128x128xi32>
    %sign3A_292 = arith.extui %sign3A_291 : vector<128x128xi1> to vector<128x128xi32>
    %sign3A_293 = arith.constant 0 : i32
    %sign3A_294 = vector.broadcast %sign3A_293 : i32 to vector<128x128xi32>
    %sign3A_295 = arith.cmpi slt, %iota3A_258, %sign3A_294 : vector<128x128xi32>
    %sign3A_296 = arith.extui %sign3A_295 : vector<128x128xi1> to vector<128x128xi32>
    %sign3A_297 = arith.subi %sign3A_292, %sign3A_296 : vector<128x128xi32>
    %sign3A_298 = arith.constant 0 : i32
    %sign3A_299 = arith.cmpi sgt, %jit3A_286, %sign3A_298 : i32
    %sign3A_300 = arith.extui %sign3A_299 : i1 to i32
    %sign3A_301 = arith.constant 0 : i32
    %sign3A_302 = arith.cmpi slt, %jit3A_286, %sign3A_301 : i32
    %sign3A_303 = arith.extui %sign3A_302 : i1 to i32
    %sign3A_304 = arith.subi %sign3A_300, %sign3A_303 : i32
    %ne3A_305 = vector.broadcast %sign3A_304 : i32 to vector<128x128xi32>
    %ne3A_306 = arith.cmpi ne, %sign3A_297, %ne3A_305 : vector<128x128xi32>
    %rem3A_307 = vector.broadcast %jit3A_286 : i32 to vector<128x128xi32>
    %rem3A_308 = arith.remsi %iota3A_258, %rem3A_307 : vector<128x128xi32>
    %ne3A_309 = arith.constant 0 : i32
    %ne3A_310 = vector.broadcast %ne3A_309 : i32 to vector<128x128xi32>
    %ne3A_311 = arith.cmpi ne, %rem3A_308, %ne3A_310 : vector<128x128xi32>
    %and3A_312 = arith.andi %ne3A_306, %ne3A_311 : vector<128x128xi1>
    %sub3A_313 = arith.constant 1 : i32
    %sub3A_314 = vector.broadcast %sub3A_313 : i32 to vector<128x128xi32>
    %sub3A_315 = arith.subi %div3A_288, %sub3A_314 : vector<128x128xi32>
    %select_n3A_316 = arith.select %and3A_312, %sub3A_315, %div3A_288 : vector<128x128xi1>, vector<128x128xi32>
    %eq3A = arith.cmpi eq, %select_n3A_285, %select_n3A_316 : vector<128x128xi32>
    %convert_element_type3A = arith.extui %eq3A : vector<128x128xi1> to vector<128x128xi32>
    %convert_element_type3A_317 = arith.sitofp %convert_element_type3A : vector<128x128xi32> to vector<128x128xf32>
    %reshape3A_318 = vector.shape_cast %add3A_257 : vector<8x256x128xf32> to vector<2048x128xf32>
    %dot_general3A_319 = arith.constant dense<0.000000e+00> : vector<2048x128xf32>
    %dot_general3A_320 = tpu.matmul %reshape3A_318, %convert_element_type3A_317, %dot_general3A_319 {dimension_numbers = #tpu.dot_dimension_numbers<[1], [0], [0], [1], [0, 0, 1, 1], [], []>, transpose_lhs_hint = false} : vector<2048x128xf32>, vector<128x128xf32>, vector<2048x128xf32> -> vector<2048x128xf32>
    %max3A = arith.constant 1.000000e-24 : f32
    %max3A_321 = vector.broadcast %max3A : f32 to vector<2048x128xf32>
    %max3A_322 = arith.maximumf %dot_general3A_320, %max3A_321 : vector<2048x128xf32>
    %rsqrt3A = math.rsqrt %max3A_322 : vector<2048x128xf32>
    %reshape3A_323 = vector.shape_cast %rsqrt3A : vector<2048x128xf32> to vector<8x256x128xf32>
    %get3A_324 = arith.constant 0 : index
    %get3A_325 = arith.constant 0 : index
    %get3A_326 = arith.constant 0 : index
    %get3A_327 = arith.constant 0 : index
    %get3A_328 = vector.load %arg9[%get3A_324, %get3A_325, %get3A_326, %get3A_327] : memref<1x3x256x64xf32, #tpu.memory_space<vmem>>, vector<1x1x256x64xf32>
    %get3A_329 = vector.shape_cast %get3A_328 : vector<1x1x256x64xf32> to vector<256x64xf32>
    %concatenate3A_330 = tpu.concatenate %get3A_329, %get3A_329 in 1 : vector<256x64xf32>, vector<256x64xf32> -> vector<256x128xf32>
    %reshape3A_331 = vector.shape_cast %concatenate3A_330 : vector<256x128xf32> to vector<1x256x128xf32>
    %get3A_332 = arith.constant 0 : index
    %get3A_333 = arith.constant 1 : index
    %get3A_334 = arith.constant 0 : index
    %get3A_335 = arith.constant 0 : index
    %get3A_336 = vector.load %arg9[%get3A_332, %get3A_333, %get3A_334, %get3A_335] : memref<1x3x256x64xf32, #tpu.memory_space<vmem>>, vector<1x1x256x64xf32>
    %get3A_337 = vector.shape_cast %get3A_336 : vector<1x1x256x64xf32> to vector<256x64xf32>
    %concatenate3A_338 = tpu.concatenate %get3A_337, %get3A_337 in 1 : vector<256x64xf32>, vector<256x64xf32> -> vector<256x128xf32>
    %reshape3A_339 = vector.shape_cast %concatenate3A_338 : vector<256x128xf32> to vector<1x256x128xf32>
    %get3A_340 = arith.constant 0 : index
    %get3A_341 = arith.constant 2 : index
    %get3A_342 = arith.constant 0 : index
    %get3A_343 = arith.constant 0 : index
    %get3A_344 = vector.load %arg9[%get3A_340, %get3A_341, %get3A_342, %get3A_343] : memref<1x3x256x64xf32, #tpu.memory_space<vmem>>, vector<1x1x256x64xf32>
    %get3A_345 = vector.shape_cast %get3A_344 : vector<1x1x256x64xf32> to vector<256x64xf32>
    %concatenate3A_346 = tpu.concatenate %get3A_345, %get3A_345 in 1 : vector<256x64xf32>, vector<256x64xf32> -> vector<256x128xf32>
    %reshape3A_347 = vector.shape_cast %concatenate3A_346 : vector<256x128xf32> to vector<1x256x128xf32>
    %mul3A_348 = vector.broadcast %reshape3A_331 : vector<1x256x128xf32> to vector<8x256x128xf32>
    %mul3A_349 = arith.mulf %sub3A, %mul3A_348 : vector<8x256x128xf32>
    %add3A_350 = arith.constant 0.000000e+00 : f32
    %add3A_351 = vector.broadcast %add3A_350 : f32 to vector<8x256x128xf32>
    %add3A_352 = arith.addf %add3A_351, %mul3A_349 : vector<8x256x128xf32>
    %mul3A_353 = vector.broadcast %reshape3A_339 : vector<1x256x128xf32> to vector<8x256x128xf32>
    %mul3A_354 = arith.mulf %sub3A_212, %mul3A_353 : vector<8x256x128xf32>
    %add3A_355 = arith.addf %add3A_352, %mul3A_354 : vector<8x256x128xf32>
    %mul3A_356 = vector.broadcast %reshape3A_347 : vector<1x256x128xf32> to vector<8x256x128xf32>
    %mul3A_357 = arith.mulf %sub3A_214, %mul3A_356 : vector<8x256x128xf32>
    %add3A_358 = arith.addf %add3A_355, %mul3A_357 : vector<8x256x128xf32>
    %mul3A_359 = arith.mulf %add3A_358, %reshape3A_323 : vector<8x256x128xf32>
    %jit3A_360 = arith.constant 16 : i32
    %div3A_361 = vector.broadcast %jit3A_360 : i32 to vector<128x128xi32>
    %div3A_362 = arith.divsi %iota3A, %div3A_361 : vector<128x128xi32>
    %sign3A_363 = arith.constant 0 : i32
    %sign3A_364 = vector.broadcast %sign3A_363 : i32 to vector<128x128xi32>
    %sign3A_365 = arith.cmpi sgt, %iota3A, %sign3A_364 : vector<128x128xi32>
    %sign3A_366 = arith.extui %sign3A_365 : vector<128x128xi1> to vector<128x128xi32>
    %sign3A_367 = arith.constant 0 : i32
    %sign3A_368 = vector.broadcast %sign3A_367 : i32 to vector<128x128xi32>
    %sign3A_369 = arith.cmpi slt, %iota3A, %sign3A_368 : vector<128x128xi32>
    %sign3A_370 = arith.extui %sign3A_369 : vector<128x128xi1> to vector<128x128xi32>
    %sign3A_371 = arith.subi %sign3A_366, %sign3A_370 : vector<128x128xi32>
    %sign3A_372 = arith.constant 0 : i32
    %sign3A_373 = arith.cmpi sgt, %jit3A_360, %sign3A_372 : i32
    %sign3A_374 = arith.extui %sign3A_373 : i1 to i32
    %sign3A_375 = arith.constant 0 : i32
    %sign3A_376 = arith.cmpi slt, %jit3A_360, %sign3A_375 : i32
    %sign3A_377 = arith.extui %sign3A_376 : i1 to i32
    %sign3A_378 = arith.subi %sign3A_374, %sign3A_377 : i32
    %ne3A_379 = vector.broadcast %sign3A_378 : i32 to vector<128x128xi32>
    %ne3A_380 = arith.cmpi ne, %sign3A_371, %ne3A_379 : vector<128x128xi32>
    %rem3A_381 = vector.broadcast %jit3A_360 : i32 to vector<128x128xi32>
    %rem3A_382 = arith.remsi %iota3A, %rem3A_381 : vector<128x128xi32>
    %ne3A_383 = arith.constant 0 : i32
    %ne3A_384 = vector.broadcast %ne3A_383 : i32 to vector<128x128xi32>
    %ne3A_385 = arith.cmpi ne, %rem3A_382, %ne3A_384 : vector<128x128xi32>
    %and3A_386 = arith.andi %ne3A_380, %ne3A_385 : vector<128x128xi1>
    %sub3A_387 = arith.constant 1 : i32
    %sub3A_388 = vector.broadcast %sub3A_387 : i32 to vector<128x128xi32>
    %sub3A_389 = arith.subi %div3A_362, %sub3A_388 : vector<128x128xi32>
    %select_n3A_390 = arith.select %and3A_386, %sub3A_389, %div3A_362 : vector<128x128xi1>, vector<128x128xi32>
    %jit3A_391 = arith.constant 16 : i32
    %div3A_392 = vector.broadcast %jit3A_391 : i32 to vector<128x128xi32>
    %div3A_393 = arith.divsi %iota3A_258, %div3A_392 : vector<128x128xi32>
    %sign3A_394 = arith.constant 0 : i32
    %sign3A_395 = vector.broadcast %sign3A_394 : i32 to vector<128x128xi32>
    %sign3A_396 = arith.cmpi sgt, %iota3A_258, %sign3A_395 : vector<128x128xi32>
    %sign3A_397 = arith.extui %sign3A_396 : vector<128x128xi1> to vector<128x128xi32>
    %sign3A_398 = arith.constant 0 : i32
    %sign3A_399 = vector.broadcast %sign3A_398 : i32 to vector<128x128xi32>
    %sign3A_400 = arith.cmpi slt, %iota3A_258, %sign3A_399 : vector<128x128xi32>
    %sign3A_401 = arith.extui %sign3A_400 : vector<128x128xi1> to vector<128x128xi32>
    %sign3A_402 = arith.subi %sign3A_397, %sign3A_401 : vector<128x128xi32>
    %sign3A_403 = arith.constant 0 : i32
    %sign3A_404 = arith.cmpi sgt, %jit3A_391, %sign3A_403 : i32
    %sign3A_405 = arith.extui %sign3A_404 : i1 to i32
    %sign3A_406 = arith.constant 0 : i32
    %sign3A_407 = arith.cmpi slt, %jit3A_391, %sign3A_406 : i32
    %sign3A_408 = arith.extui %sign3A_407 : i1 to i32
    %sign3A_409 = arith.subi %sign3A_405, %sign3A_408 : i32
    %ne3A_410 = vector.broadcast %sign3A_409 : i32 to vector<128x128xi32>
    %ne3A_411 = arith.cmpi ne, %sign3A_402, %ne3A_410 : vector<128x128xi32>
    %rem3A_412 = vector.broadcast %jit3A_391 : i32 to vector<128x128xi32>
    %rem3A_413 = arith.remsi %iota3A_258, %rem3A_412 : vector<128x128xi32>
    %ne3A_414 = arith.constant 0 : i32
    %ne3A_415 = vector.broadcast %ne3A_414 : i32 to vector<128x128xi32>
    %ne3A_416 = arith.cmpi ne, %rem3A_413, %ne3A_415 : vector<128x128xi32>
    %and3A_417 = arith.andi %ne3A_411, %ne3A_416 : vector<128x128xi1>
    %sub3A_418 = arith.constant 1 : i32
    %sub3A_419 = vector.broadcast %sub3A_418 : i32 to vector<128x128xi32>
    %sub3A_420 = arith.subi %div3A_393, %sub3A_419 : vector<128x128xi32>
    %select_n3A_421 = arith.select %and3A_417, %sub3A_420, %div3A_393 : vector<128x128xi1>, vector<128x128xi32>
    %eq3A_422 = arith.cmpi eq, %select_n3A_390, %select_n3A_421 : vector<128x128xi32>
    %convert_element_type3A_423 = arith.extui %eq3A_422 : vector<128x128xi1> to vector<128x128xi32>
    %convert_element_type3A_424 = arith.sitofp %convert_element_type3A_423 : vector<128x128xi32> to vector<128x128xf32>
    %sqrt3A = arith.constant 4.800000e+01 : f32
    %sqrt3A_425 = math.sqrt %sqrt3A : f32
    %div3A_426 = vector.broadcast %sqrt3A_425 : f32 to vector<128x128xf32>
    %div3A_427 = arith.divf %convert_element_type3A_424, %div3A_426 : vector<128x128xf32>
    %reshape3A_428 = vector.shape_cast %mul3A_359 : vector<8x256x128xf32> to vector<2048x128xf32>
    %dot_general3A_429 = arith.constant dense<0.000000e+00> : vector<2048x128xf32>
    %dot_general3A_430 = tpu.matmul %reshape3A_428, %div3A_427, %dot_general3A_429 {dimension_numbers = #tpu.dot_dimension_numbers<[1], [0], [0], [1], [0, 0, 1, 1], [], []>, transpose_lhs_hint = false} : vector<2048x128xf32>, vector<128x128xf32>, vector<2048x128xf32> -> vector<2048x128xf32>
    %reshape3A_431 = vector.shape_cast %dot_general3A_430 : vector<2048x128xf32> to vector<8x256x128xf32>
    %reduce_max3A = arith.constant dense<0xFF800000> : vector<256x128xf32>
    %reduce_max3A_432 = vector.multi_reduction <maximumf>, %reshape3A_431, %reduce_max3A [0] : vector<8x256x128xf32> to vector<256x128xf32>
    %broadcast_in_dim3A_433 = vector.shape_cast %reduce_max3A_432 : vector<256x128xf32> to vector<1x256x128xf32>
    %slice3A = vector.extract_strided_slice %broadcast_in_dim3A_433 {offsets = [0, 0, 64], sizes = [1, 256, 64], strides = [1, 1, 1]} : vector<1x256x128xf32> to vector<1x256x64xf32>
    %slice3A_434 = vector.extract_strided_slice %broadcast_in_dim3A_433 {offsets = [0, 0, 0], sizes = [1, 256, 64], strides = [1, 1, 1]} : vector<1x256x128xf32> to vector<1x256x64xf32>
    %concatenate3A_435 = tpu.concatenate %slice3A, %slice3A_434 in 2 : vector<1x256x64xf32>, vector<1x256x64xf32> -> vector<1x256x128xf32>
    %max3A_436 = arith.maximumf %broadcast_in_dim3A_433, %concatenate3A_435 : vector<1x256x128xf32>
    %sub3A_437 = vector.broadcast %max3A_436 : vector<1x256x128xf32> to vector<8x256x128xf32>
    %sub3A_438 = arith.subf %reshape3A_431, %sub3A_437 : vector<8x256x128xf32>
    %exp3A = math.exp %sub3A_438 : vector<8x256x128xf32>
    %reduce_sum3A = arith.constant dense<0.000000e+00> : vector<256x128xf32>
    %reduce_sum3A_439 = vector.multi_reduction <add>, %exp3A, %reduce_sum3A [0] : vector<8x256x128xf32> to vector<256x128xf32>
    %slice3A_440 = vector.extract_strided_slice %reduce_sum3A_439 {offsets = [0, 64], sizes = [256, 64], strides = [1, 1]} : vector<256x128xf32> to vector<256x64xf32>
    %slice3A_441 = vector.extract_strided_slice %reduce_sum3A_439 {offsets = [0, 0], sizes = [256, 64], strides = [1, 1]} : vector<256x128xf32> to vector<256x64xf32>
    %concatenate3A_442 = tpu.concatenate %slice3A_440, %slice3A_441 in 1 : vector<256x64xf32>, vector<256x64xf32> -> vector<256x128xf32>
    %add3A_443 = arith.addf %reduce_sum3A_439, %concatenate3A_442 : vector<256x128xf32>
    %div3A_444 = arith.constant 1.000000e+00 : f32
    %div3A_445 = vector.broadcast %div3A_444 : f32 to vector<256x128xf32>
    %div3A_446 = arith.divf %div3A_445, %add3A_443 : vector<256x128xf32>
    %mul3A_447 = arith.mulf %exp3A, %sub3A_245 : vector<8x256x128xf32>
    %reduce_sum3A_448 = arith.constant dense<0.000000e+00> : vector<256x128xf32>
    %reduce_sum3A_449 = vector.multi_reduction <add>, %mul3A_447, %reduce_sum3A_448 [0] : vector<8x256x128xf32> to vector<256x128xf32>
    %mul3A_450 = arith.mulf %reduce_sum3A_449, %div3A_446 : vector<256x128xf32>
    %get3A_451 = arith.constant 0 : index
    %get3A_452 = arith.constant 0 : index
    %get3A_453 = arith.constant 0 : index
    %get3A_454 = arith.constant 0 : index
    %get3A_455 = vector.load %arg10[%get3A_451, %get3A_452, %get3A_453, %get3A_454] : memref<1x3x256x64xf32, #tpu.memory_space<vmem>>, vector<1x1x256x64xf32>
    %get3A_456 = vector.shape_cast %get3A_455 : vector<1x1x256x64xf32> to vector<256x64xf32>
    %slice3A_457 = vector.extract_strided_slice %mul3A_450 {offsets = [0, 0], sizes = [256, 64], strides = [1, 1]} : vector<256x128xf32> to vector<256x64xf32>
    %slice3A_458 = vector.extract_strided_slice %mul3A_450 {offsets = [0, 64], sizes = [256, 64], strides = [1, 1]} : vector<256x128xf32> to vector<256x64xf32>
    %add3A_459 = arith.addf %slice3A_457, %slice3A_458 : vector<256x64xf32>
    %add3A_460 = arith.addf %get3A_456, %add3A_459 : vector<256x64xf32>
    %swap3A = arith.constant 0 : index
    %swap3A_461 = arith.constant 0 : index
    %swap3A_462 = arith.constant 0 : index
    %swap3A_463 = arith.constant 0 : index
    %swap3A_464 = vector.load %arg15[%swap3A, %swap3A_461, %swap3A_462, %swap3A_463] : memref<1x3x256x64xf32, #tpu.memory_space<vmem>>, vector<1x1x256x64xf32>
    %swap3A_465 = vector.shape_cast %swap3A_464 : vector<1x1x256x64xf32> to vector<256x64xf32>
    %swap3A_466 = vector.shape_cast %add3A_460 : vector<256x64xf32> to vector<1x1x256x64xf32>
    tpu.vector_store %arg15[%swap3A, %swap3A_461, %swap3A_462, %swap3A_463], %swap3A_466 {strides = array<i32>} : memref<1x3x256x64xf32, #tpu.memory_space<vmem>>, vector<1x1x256x64xf32>,
    %mul3A_467 = arith.mulf %exp3A, %sub3A_247 : vector<8x256x128xf32>
    %reduce_sum3A_468 = arith.constant dense<0.000000e+00> : vector<256x128xf32>
    %reduce_sum3A_469 = vector.multi_reduction <add>, %mul3A_467, %reduce_sum3A_468 [0] : vector<8x256x128xf32> to vector<256x128xf32>
    %mul3A_470 = arith.mulf %reduce_sum3A_469, %div3A_446 : vector<256x128xf32>
    %get3A_471 = arith.constant 0 : index
    %get3A_472 = arith.constant 1 : index
    %get3A_473 = arith.constant 0 : index
    %get3A_474 = arith.constant 0 : index
    %get3A_475 = vector.load %arg10[%get3A_471, %get3A_472, %get3A_473, %get3A_474] : memref<1x3x256x64xf32, #tpu.memory_space<vmem>>, vector<1x1x256x64xf32>
    %get3A_476 = vector.shape_cast %get3A_475 : vector<1x1x256x64xf32> to vector<256x64xf32>
    %slice3A_477 = vector.extract_strided_slice %mul3A_470 {offsets = [0, 0], sizes = [256, 64], strides = [1, 1]} : vector<256x128xf32> to vector<256x64xf32>
    %slice3A_478 = vector.extract_strided_slice %mul3A_470 {offsets = [0, 64], sizes = [256, 64], strides = [1, 1]} : vector<256x128xf32> to vector<256x64xf32>
    %add3A_479 = arith.addf %slice3A_477, %slice3A_478 : vector<256x64xf32>
    %add3A_480 = arith.addf %get3A_476, %add3A_479 : vector<256x64xf32>
    %swap3A_481 = arith.constant 0 : index
    %swap3A_482 = arith.constant 1 : index
    %swap3A_483 = arith.constant 0 : index
    %swap3A_484 = arith.constant 0 : index
    %swap3A_485 = vector.load %arg15[%swap3A_481, %swap3A_482, %swap3A_483, %swap3A_484] : memref<1x3x256x64xf32, #tpu.memory_space<vmem>>, vector<1x1x256x64xf32>
    %swap3A_486 = vector.shape_cast %swap3A_485 : vector<1x1x256x64xf32> to vector<256x64xf32>
    %swap3A_487 = vector.shape_cast %add3A_480 : vector<256x64xf32> to vector<1x1x256x64xf32>
    tpu.vector_store %arg15[%swap3A_481, %swap3A_482, %swap3A_483, %swap3A_484], %swap3A_487 {strides = array<i32>} : memref<1x3x256x64xf32, #tpu.memory_space<vmem>>, vector<1x1x256x64xf32>,
    %mul3A_488 = arith.mulf %exp3A, %sub3A_249 : vector<8x256x128xf32>
    %reduce_sum3A_489 = arith.constant dense<0.000000e+00> : vector<256x128xf32>
    %reduce_sum3A_490 = vector.multi_reduction <add>, %mul3A_488, %reduce_sum3A_489 [0] : vector<8x256x128xf32> to vector<256x128xf32>
    %mul3A_491 = arith.mulf %reduce_sum3A_490, %div3A_446 : vector<256x128xf32>
    %get3A_492 = arith.constant 0 : index
    %get3A_493 = arith.constant 2 : index
    %get3A_494 = arith.constant 0 : index
    %get3A_495 = arith.constant 0 : index
    %get3A_496 = vector.load %arg10[%get3A_492, %get3A_493, %get3A_494, %get3A_495] : memref<1x3x256x64xf32, #tpu.memory_space<vmem>>, vector<1x1x256x64xf32>
    %get3A_497 = vector.shape_cast %get3A_496 : vector<1x1x256x64xf32> to vector<256x64xf32>
    %slice3A_498 = vector.extract_strided_slice %mul3A_491 {offsets = [0, 0], sizes = [256, 64], strides = [1, 1]} : vector<256x128xf32> to vector<256x64xf32>
    %slice3A_499 = vector.extract_strided_slice %mul3A_491 {offsets = [0, 64], sizes = [256, 64], strides = [1, 1]} : vector<256x128xf32> to vector<256x64xf32>
    %add3A_500 = arith.addf %slice3A_498, %slice3A_499 : vector<256x64xf32>
    %add3A_501 = arith.addf %get3A_497, %add3A_500 : vector<256x64xf32>
    %swap3A_502 = arith.constant 0 : index
    %swap3A_503 = arith.constant 2 : index
    %swap3A_504 = arith.constant 0 : index
    %swap3A_505 = arith.constant 0 : index
    %swap3A_506 = vector.load %arg15[%swap3A_502, %swap3A_503, %swap3A_504, %swap3A_505] : memref<1x3x256x64xf32, #tpu.memory_space<vmem>>, vector<1x1x256x64xf32>
    %swap3A_507 = vector.shape_cast %swap3A_506 : vector<1x1x256x64xf32> to vector<256x64xf32>
    %swap3A_508 = vector.shape_cast %add3A_501 : vector<256x64xf32> to vector<1x1x256x64xf32>
    tpu.vector_store %arg15[%swap3A_502, %swap3A_503, %swap3A_504, %swap3A_505], %swap3A_508 {strides = array<i32>} : memref<1x3x256x64xf32, #tpu.memory_space<vmem>>, vector<1x1x256x64xf32>,
    return
  }
  func.func @transform_0(%arg0: i32, %arg1: i32) -> (i32, i32, i32, i32, i32) {
    %c0_i32 = arith.constant 0 : i32
    %c0_i32_0 = arith.constant 0 : i32
    %c0_i32_1 = arith.constant 0 : i32
    %c0_i32_2 = arith.constant 0 : i32
    return %arg0, %c0_i32, %arg1, %c0_i32_0, %c0_i32_1 : i32, i32, i32, i32, i32
  }
  func.func @transform_1(%arg0: i32, %arg1: i32) -> (i32, i32, i32, i32, i32) {
    %c0_i32 = arith.constant 0 : i32
    %c0_i32_0 = arith.constant 0 : i32
    %c0_i32_1 = arith.constant 0 : i32
    %c0_i32_2 = arith.constant 0 : i32
    return %arg0, %c0_i32, %arg1, %c0_i32_0, %c0_i32_1 : i32, i32, i32, i32, i32
  }
  func.func @transform_2(%arg0: i32, %arg1: i32) -> (i32, i32, i32, i32, i32) {
    %c0_i32 = arith.constant 0 : i32
    %c0_i32_0 = arith.constant 0 : i32
    %c0_i32_1 = arith.constant 0 : i32
    %c0_i32_2 = arith.constant 0 : i32
    return %arg0, %c0_i32, %arg1, %c0_i32_0, %c0_i32_1 : i32, i32, i32, i32, i32
  }
  func.func @transform_3(%arg0: i32, %arg1: i32) -> (i32, i32, i32, i32) {
    %c0_i32 = arith.constant 0 : i32
    %c0_i32_0 = arith.constant 0 : i32
    %c0_i32_1 = arith.constant 0 : i32
    return %arg0, %c0_i32, %arg1, %c0_i32_0 : i32, i32, i32, i32
  }
  func.func @transform_4(%arg0: i32, %arg1: i32) -> (i32, i32, i32, i32) {
    %c0_i32 = arith.constant 0 : i32
    %c0_i32_0 = arith.constant 0 : i32
    %c0_i32_1 = arith.constant 0 : i32
    return %arg0, %c0_i32, %arg1, %c0_i32_0 : i32, i32, i32, i32
  }
  func.func @transform_5(%arg0: i32, %arg1: i32) -> (i32, i32, i32, i32) {
    %c0_i32 = arith.constant 0 : i32
    %c0_i32_0 = arith.constant 0 : i32
    %c0_i32_1 = arith.constant 0 : i32
    return %arg0, %c0_i32, %arg1, %c0_i32_0 : i32, i32, i32, i32
  }
  func.func @transform_6(%arg0: i32, %arg1: i32) -> (i32, i32, i32, i32) {
    %c0_i32 = arith.constant 0 : i32
    %c0_i32_0 = arith.constant 0 : i32
    %c0_i32_1 = arith.constant 0 : i32
    return %arg0, %c0_i32, %arg1, %c0_i32_0 : i32, i32, i32, i32
  }
  func.func @transform_7(%arg0: i32, %arg1: i32) -> (i32, i32, i32, i32) {
    %c0_i32 = arith.constant 0 : i32
    %c0_i32_0 = arith.constant 0 : i32
    %c0_i32_1 = arith.constant 0 : i32
    return %arg0, %c0_i32, %arg1, %c0_i32_0 : i32, i32, i32, i32
  }
  func.func @transform_8(%arg0: i32, %arg1: i32) -> (i32, i32, i32, i32) {
    %c0_i32 = arith.constant 0 : i32
    %c0_i32_0 = arith.constant 0 : i32
    %c0_i32_1 = arith.constant 0 : i32
    return %arg0, %c0_i32, %arg1, %c0_i32_0 : i32, i32, i32, i32
  }
  func.func @transform_9(%arg0: i32, %arg1: i32) -> (i32, i32) {
    %c0_i32 = arith.constant 0 : i32
    %c0_i32_0 = arith.constant 0 : i32
    %c0_i32_1 = arith.constant 0 : i32
    return %c0_i32, %c0_i32_0 : i32, i32
  }
  func.func @transform_10(%arg0: i32, %arg1: i32) -> (i32, i32) {
    %c0_i32 = arith.constant 0 : i32
    %c0_i32_0 = arith.constant 0 : i32
    %c0_i32_1 = arith.constant 0 : i32
    return %c0_i32, %c0_i32_0 : i32, i32
  }
  func.func @transform_11(%arg0: i32, %arg1: i32) -> (i32, i32) {
    %c0_i32 = arith.constant 0 : i32
    %c0_i32_0 = arith.constant 0 : i32
    %c0_i32_1 = arith.constant 0 : i32
    return %c0_i32, %c0_i32_0 : i32, i32
  }
  func.func @transform_12(%arg0: i32, %arg1: i32) -> (i32, i32) {
    %c0_i32 = arith.constant 0 : i32
    %c0_i32_0 = arith.constant 0 : i32
    %c0_i32_1 = arith.constant 0 : i32
    return %c0_i32, %c0_i32_0 : i32, i32
  }
  func.func @transform_13(%arg0: i32, %arg1: i32) -> (i32, i32, i32, i32) {
    %c0_i32 = arith.constant 0 : i32
    %c0_i32_0 = arith.constant 0 : i32
    %c0_i32_1 = arith.constant 0 : i32
    return %arg0, %c0_i32, %arg1, %c0_i32_0 : i32, i32, i32, i32
  }
}

</mosaic_0001>

<sc_bundles>
// kernel: kernel.6.cloned.1.call-start
scs
__scs_entry_jumppad:
0x0: {  	(pc) =	sbr.rel $0x88, $3  }
0x1: {  	(tag) =	ssettag $0x0;
	lr =	simm.s32 $0x1  }
0x2: {  	[smem:$0x3F99] =	sst lr;
	_ =	strace $0xD0000000  }
0x3: {  	_ = 	snop  }
0x4: {  	_ = 	snop  }
0x5: {  	_ = 	snop  }
0x6: {  	_ = 	snop  }
0x7: {  	_ = 	snop  }
__scs_overlays_trampoline_lowered:
0x8: {  	[smem:$0x3FA8] =	sst s0  }
0x9: {  	[smem:$0x3FA9] =	sst s1  }
0xa: {  	[smem:$0x3FAA] =	sst s2  }
0xb: {  	[smem:$0x3FAB] =	sst s3  }
0xc: {  	[smem:$0x3FAC] =	sst s4  }
0xd: {  	[smem:$0x3FAD] =	sst s5  }
0xe: {  	[smem:$0x3FAE] =	sst s6  }
0xf: {  	[smem:$0x3FAF] =	sst s7  }
0x10: {  	[smem:$0x3FB0] =	sst s8  }
0x11: {  	[smem:$0x3FB1] =	sst s9;
	s0 =	simm.s32 @!p0 $0x0  }
0x12: {  	s1 =	sld [smem:$0x3F97];
	s0 =	simm.s32 @p0 $0x1  }
0x13: {  	[smem:$0x3FB2] =	sst s0;
	s0 =	simm.s32 @!p1 $0x0  }
0x14: {  	s2 =	sld [smem:$0x3F96];
	s0 =	simm.s32 @p1 $0x1  }
0x15: {  	[smem:$0x3FB3] =	sst s0;
	s0 =	simm.s32 @!p2 $0x0  }
0x16: {  	s3 =	sld [smem:$0x3FDB];
	s0 =	simm.s32 @p2 $0x1  }
0x17: {  	s4 =	simm.s32 $0x1BF5;
	[smem:$0x3FB5] =	sst s0  }
0x18: {  	s0 =	sld [smem:$0x3F98];
	_ =	swait.ge [sflag:s4], $0x0  }
0x19: {  	s7 =	sld [smem:$0x3F99]  }
0x1a: {  	s8 =	sadd.s32 $0xFFFFE003, lr  }
0x1b: {  	s9 =	sadd.s32 $0xFFFFFEF7, lr;
	s5 =	simm.s32 $0xFFFFFFFF;
	p2 =	slt.u32 s8, $0xFFFFF086  }
0x1c: {  	p1 =	slt.u32 s9, $0xF7A;
	s5 =	simm.s32 @!p2 $0x0  }
0x1d: {  	s5 =	simm.s32 @p1 $0x1;
	p0 =	seq.s32 s7, s2  }
0x1e: {  	s7 =	smul.u32 @!p0 $0xF7A, s2;
	p2 =	seq.s32 @!p0 s5, $0x0  }
0x1f: {  	s9 =	smul.u32 $0xF7A, s1;
	s8 =	simm.s32 @!p0 $0x1BF5;
	p2 =	por !p2, p0  }
0x20: {  	[sflag:s8] =	ssyncset.s32 @!p0 $0xFFFFF086;
	s6 =	sadd.s32 @!p0 s3, s7;
	s7 =	simm.s32 @!p0 $0x108  }
0x21: {  	s3 =	sadd.s32 s3, s9;
	s6 =	sadd.s32 @!p0 $0x88, s6;
	s7 =	simm.s32 @p2 $0x1082  }
0x22: {  	[simem:s7], [sflag:s8] =	dma.local @!p0 [hbm:s6], $0xF7A  }
0x23: {  	s9 =	sor.u32 $0xD0000000, s2;
	s6 =	simm.s32 $0x108;
	_ =	swait.ge @!p0 [sflag:s8], $0x0  }
0x24: {  	s3 =	sadd.s32 $0x88, s3;
	s6 =	simm.s32 @!p1 $0x1082;
	[sflag:s4] =	ssyncset.s32 $0xFFFFF086  }
0x25: {  	[simem:s6], [sflag:s4] =	dma.local [hbm:s3], $0xF7A  }
0x26: {  	[smem:$0x3F99] =	sst s1;
	(tag) =	ssettag s2;
	_ =	strace s9  }
0x27: {  	s1 =	sld [smem:$0x3FA9]  }
0x28: {  	s2 =	sld [smem:$0x3FAA]  }
0x29: {  	s4 =	sld [smem:$0x3FAC]  }
0x2a: {  	p0 =	seq.s32 s5, $0x0;
	s5 =	sld [smem:$0x3FAD]  }
0x2b: {  	s6 =	sld [smem:$0x3FAE]  }
0x2c: {  	s7 =	sld [smem:$0x3FAF]  }
0x2d: {  	s3 =	simm.s32 $0x108;
	s8 =	sld [smem:$0x3FB0]  }
0x2e: {  	s3 =	simm.s32 @!p0 $0x1082;
	s9 =	sld [smem:$0x3FB1]  }
0x2f: {  	lr =	sadd.s32 s0, s3;
	s0 =	sld [smem:$0x3FA8]  }
0x30: {  	s3 =	sld [smem:$0x3FAB]  }
0x31: {  	[smem:$0x3FB4] =	sst s10  }
0x32: {  	s10 =	sld [smem:$0x3FB2];
	_ =	sdelay $0x3  }
0x33: {  	p0 =	seq.s32 s10, $0x1;
	s10 =	sld [smem:$0x3FB4];
	_ =	sdelay $0x3  }
0x34: {  	[smem:$0x3FB4] =	sst s10  }
0x35: {  	s10 =	sld [smem:$0x3FB3];
	_ =	sdelay $0x3  }
0x36: {  	p1 =	seq.s32 s10, $0x1;
	s10 =	sld [smem:$0x3FB4];
	_ =	sdelay $0x3  }
0x37: {  	[smem:$0x3FB4] =	sst s10  }
0x38: {  	s10 =	sld [smem:$0x3FB5]  }
0x39: {  	_ = 	snop;
	(pc) =	sbr.ind lr, $3  }
0x3a: {  	_ = 	snop  }
0x3b: {  	_ = 	snop  }
0x3c: {  	p2 =	seq.s32 s10, $0x1;
	s10 =	sld [smem:$0x3FB4]  }
0x3d: {  	_ =	shalt  }
0x3e: {  	_ =	shalt  }
0x3f: {  	_ =	shalt  }
0x40: {  	_ =	shalt  }
0x41: {  	_ =	shalt  }
0x42: {  	_ =	shalt  }
0x43: {  	_ =	shalt  }
0x44: {  	_ =	shalt  }
0x45: {  	_ =	shalt  }
0x46: {  	_ =	shalt  }
0x47: {  	_ =	shalt  }
0x48: {  	_ =	shalt  }
0x49: {  	_ =	shalt  }
0x4a: {  	_ =	shalt  }
0x4b: {  	_ =	shalt  }
0x4c: {  	_ =	shalt  }
0x4d: {  	_ =	shalt  }
0x4e: {  	_ =	shalt  }
0x4f: {  	_ =	shalt  }
0x50: {  	_ =	shalt  }
0x51: {  	_ =	shalt  }
0x52: {  	_ =	shalt  }
0x53: {  	_ =	shalt  }
0x54: {  	_ =	shalt  }
0x55: {  	_ =	shalt  }
0x56: {  	_ =	shalt  }
0x57: {  	_ =	shalt  }
0x58: {  	_ =	shalt  }
0x59: {  	_ =	shalt  }
0x5a: {  	_ =	shalt  }
0x5b: {  	_ =	shalt  }
0x5c: {  	_ =	shalt  }
0x5d: {  	_ =	shalt  }
0x5e: {  	_ =	shalt  }
0x5f: {  	_ =	shalt  }
0x60: {  	_ =	shalt  }
0x61: {  	_ =	shalt  }
0x62: {  	_ =	shalt  }
0x63: {  	_ =	shalt  }
0x64: {  	_ =	shalt  }
0x65: {  	_ =	shalt  }
0x66: {  	_ =	shalt  }
0x67: {  	_ =	shalt  }
0x68: {  	_ =	shalt  }
0x69: {  	_ =	shalt  }
0x6a: {  	_ =	shalt  }
0x6b: {  	_ =	shalt  }
0x6c: {  	_ =	shalt  }
0x6d: {  	_ =	shalt  }
0x6e: {  	_ =	shalt  }
0x6f: {  	_ =	shalt  }
0x70: {  	_ =	shalt  }
0x71: {  	_ =	shalt  }
0x72: {  	_ =	shalt  }
0x73: {  	_ =	shalt  }
0x74: {  	_ =	shalt  }
0x75: {  	_ =	shalt  }
0x76: {  	_ =	shalt  }
0x77: {  	_ =	shalt  }
0x78: {  	_ =	shalt  }
0x79: {  	_ =	shalt  }
0x7a: {  	_ =	shalt  }
0x7b: {  	_ =	shalt  }
0x7c: {  	_ =	shalt  }
0x7d: {  	_ =	shalt  }
0x7e: {  	_ =	shalt  }
0x7f: {  	_ =	shalt  }
0x80: {  	_ =	shalt  }
0x81: {  	_ =	shalt  }
0x82: {  	_ =	shalt  }
0x83: {  	_ =	shalt  }
0x84: {  	_ =	shalt  }
0x85: {  	_ =	shalt  }
0x86: {  	_ =	shalt  }
0x87: {  	_ =	shalt  }
.Lfunc_end0:
.L_simem_size_0:
called_computation_lowered:
.L_overlay_start_0:
0x88: {  	s2 =	sld [smem:$0x3FD9]  }
0x89: {  	s3 =	sld [smem:$0x3FFE];
	_ =	sdelay $0x1  }
0x8a: {  	s1 =	srdreg.scid  }
0x8b: {  	s0 =	sand.u32 $0x1, s1  }
0x8c: {  	s17 =	sshll.u32 s0, $0xA;
	s2 =	sadd.s32 s3, s2  }
0x8d: {  	s2 =	sadd.s32 s2, s17  }
0x8e: {  	[smem:$0x3FC0] =	sst s2  }
0x8f: {  	_ = 	snop  }
0x90: {  	s2 =	sld [smem:$0x3FD0];
	(tm) =	ssettm $0x1  }
0x91: {  	s18 =	sld [smem:$0x3FFB];
	_ =	sdelay $0x3  }
0x92: {  	_ =	strace s18  }
0x93: {  	s3 =	sld [smem:$0x3FFC];
	_ =	sdelay $0x3  }
0x94: {  	_ =	strace s3  }
0x95: {  	s3 =	sld [smem:$0x3FFD];
	_ =	sdelay $0x3  }
0x96: {  	_ =	strace s3  }
0x97: {  	_ =	strace $0x8FFFFFFF  }
0x98: {  	s19 =	sld [smem:$0x3FDB];
	_ =	sdelay $0x1  }
0x99: {  	s4 =	simm.s32 $_scs_section_size  }
0x9a: {  	s5 =	simm.s32 $_size__tile_overlayer_lowered;
	s6 =	simm.s32 $_tile_overlayer_lowered  }
0x9b: {  	s22 =	simm.s32 $0x1BFF;
	s21 =	sshll.u32 s6, $0x1;
	s3 =	sadd.s32 s4, s19  }
0x9c: {  	s7 =	simm.s32 $0x0;
	s20 =	sshll.u32 s5, $0x1;
	s5 =	sadd.s32 s21, s3  }
0x9d: {  	[timem:s7], [sflag:s22] =	dma.local [hbm:s5], s20  }
0x9e: {  	_ =	swait.ge [sflag:s22], s20  }
0x9f: {  	s4 =	ssub.s32 $0x0, s20;
	[sflag:s22] =	ssyncset.done $0x0  }
0xa0: {  	[sflag:s22] =	ssyncadd.s32 s4;
	_ =	sdelay $0x1  }
0xa1: {  	s23 =	simm.s32 $0x1B8B  }
0xa2: {  	_ =	swait.ge [sflag:s23], $0x1  }
0xa3: {  	[sflag:s23] =	ssyncset.done $0x0  }
0xa4: {  	s25 =	simm.s32 $0x1B8E;
	s24 =	sld [smem:$0x3FFE];
	[sflag:s23] =	ssyncadd.s32 $0xFFFFFFFF  }
0xa5: {  	s26 =	simm.s32 $execute0_lowered;
	[smem:$0x3FD2] =	sst s25  }
0xa6: {  	s5 =	sshll.u32 s26, $0x1;
	_ =	strace $0x80000046;
	[dreg:$0x1] =	wrdreg $0xFFFFFFFF  }
0xa7: {  	s28 =	simm.s32 $_size_execute0_lowered;
	s3 =	sadd.s32 s3, s5;
	[dreg:$0x0] =	wrdreg $0x0  }
0xa8: {  	s5 =	sshll.u32 s28, $0x1;
	[dreg:$0x2] =	wrdreg s3  }
0xa9: {  	[dreg:$0x3] =	wrdreg s5  }
0xaa: {  	[dreg:$0x4] =	wrdreg $0xC0  }
0xab: {  	_ =	task [dreg:s7], $0x5FFFF  }
0xac: {  	[dreg:$0x1] =	wrdreg $0xFFFFFFFF  }
0xad: {  	[dreg:$0x0] =	wrdreg $0x60  }
0xae: {  	[dreg:$0x2] =	wrdreg s2  }
0xaf: {  	[dreg:$0x3] =	wrdreg s24  }
0xb0: {  	[dreg:$0x4] =	wrdreg $0x9  }
0xb1: {  	_ =	task.clear_ibuf [dreg:s7], $0x5FFFF;
	_ =	strace $0x90000046  }
0xb2: {  	s29 =	simm.s32 $0x9;
	_ =	strace $0x80000048  }
0xb3: {  	_ =	swait.ge [sflag:s29], $0x1  }
0xb4: {  	[sflag:s29] =	ssyncadd.s32 $0xFFFFFFFF  }
0xb5: {  	_ =	strace $0x90000048  }
0xb6: {  	_ =	sfence  }
0xb7: {  	s30 =	sld [smem:$0x0];
	_ =	sdelay $0x2  }
0xb8: {  	s31 =	sshll.u32 s1, $0xD;
	s1 =	sshrl.u32 s1, $0x2  }
0xb9: {  	s3 =	sand.u32 $0x4000, s31;
	s1 =	sadd.s32 s1, s30  }
0xba: {  	s0 =	sor.u32 s3, s0;
	s1 =	sshll.u32 s1, $0x11  }
0xbb: {  	s0 =	sor.u32 s1, s0  }
0xbc: {  	s0 =	sadd.s32 $0x8F2B, s0  }
0xbd: {  	[sflag:s0] =	ssyncadd.remote.s32 $0x1  }
0xbe: {  	_ =	sfence.sel $0xFFFF  }
0xbf: {  	[dreg:$0x0] =	wrdreg $0xFFFFFFFF;
	(pc) =	sbr.abs _section_cstart, $3  }
0xc0: {  	[dreg:$0x1] =	wrdreg $0xFFFFFFFF  }
0xc1: {  	_ =	task.clear_ibuf [dreg:s7], $0x2FFFF;
	_ =	strace $0x9FFFFFFF  }
0xc2: {  	(tm) =	ssettm $0x7FFFFFFF  }
0xc3: {  	_ =	shalt  }
tec
execute0_lowered:
.L_overlay_start_1:
0x0: {  	(tag) =	ssettag $0x1  }
0x1: {  	s1 =	rddreg [dreg:$0x0]  }
0x2: {  	s6 =	rddreg [dreg:$0x1]  }
0x3: {  	s0 =	rddreg [dreg:$0x2];
	s3 =	simm.s32 $0x0;
	s2 =	stileid.u32  }
0x4: {  	s8 =	srdreg.scid;
	s14 =	simm.s32 $0x2100;
	s15 =	simm.s32 $0x4100  }
0x5: {  	s16 =	simm.s32 $0x6100;
	s17 =	simm.s32 $0x8100;
	s18 =	simm.s32 $0xA100  }
0x6: {  	s19 =	simm.s32 $0x1;
	s20 =	simm.s32 $0x2;
	s21 =	simm.s32 $0x0  }
0x7: {  	[smem:$0x7FF] =	sst s3;
	s4 =	sadd.s32 $0x72E00, s6;
	s5 =	sadd.s32 $0x62E00, s6  }
0x8: {  	s7 =	sshll.u32 s2, $0x10;
	s10 =	sadd.s32 $0x182E00, s6;
	s25 =	sand.u32 $0x1, s8  }
0x9: {  	s9 =	sshll.u32 s2, $0xD;
	_ =	strace $0x80000047;
	s6 =	sadd.s32 s7, s6  }
0xa: {  	s8 =	ssub.s32 $0x2, s25;
	s11 =	sshll.u32 s25, $0xC;
	s7 =	sshll.u32 s25, $0xF  }
0xb: {  	s12 =	sshrl.u32 s8, $0x1;
	s9 =	sor.u32 s11, s9;
	s26 =	sadd.s32 s7, s6  }
0xc: {  	s8 =	ssub.s32 s8, s12;
	s11 =	sshrl.u32 s9, $0x3;
	s28 =	sadd.s32 $0x286E00, s26  }
0xd: {  	s29 =	sadd.s32 $0x186E00, s26;
	s30 =	sor.u32 $0x80, s9;
	s13 =	sor.u32 $0x100, s9  }
0xe: {  	s12 =	simm.s32 $0x80;
	s6 =	sadd.s32 s10, s11;
	[dreg:$0x3] =	wrdreg s28  }
0xf: {  	s7 =	smax.u32 s8, $0x1;
	[dreg:$0x4] =	wrdreg s29;
	s11 =	sshrl.u32 s30, $0x3  }
0x10: {  	s8 =	sadd.s32 $0x82E00, s26;
	s31 =	sshrl.u32 s13, $0x3;
	s13 =	simm.s32 $0x100  }
0x11: {  	s9 =	sadd.s32 s11, s10;
	s10 =	sadd.s32 s31, s10;
	s11 =	simm.s32 $0x3  }
.LBB2_1:
0x12: {  	[tilespmem:s3], [sflag:$0x3] =	stream.linear.gather [hbm4b:s6+s3], $0x80, $0x38;
	[tilespmem:$0xC100] =	vst v63  }
0x13: {  	_ =	swait.ge [sflag:s11], $0x80  }
0x14: {  	[sflag:s11] =	ssyncset.done $0x0  }
0x15: {  	[sflag:s11] =	ssyncadd.s32 $0xFFFFFF80  }
0x16: {  	[tilespmem:s13], [sflag:$0x1] =	stream.indirect.gather [hbm4b:s1+s12], $0x40, s3, s12, $0xb8;
	[tilespmem:$0xC100] =	vst v63  }
0x17: {  	_ = 	snop  }
0x18: {  	[tilespmem:s14], [sflag:$0x1] =	stream.indirect.gather [hbm4b:s4+s12], $0x40, s3, s12, $0xb8;
	[tilespmem:$0xC100] =	vst v63  }
0x19: {  	_ = 	snop  }
0x1a: {  	[tilespmem:s15], [sflag:$0x1] =	stream.indirect.gather [hbm4b:s5+s12], $0x40, s3, s12, $0xb8;
	[tilespmem:$0xC100] =	vst v63  }
0x1b: {  	_ = 	snop  }
0x1c: {  	[tilespmem:s12], [sflag:$0x3] =	stream.linear.gather [hbm4b:s9+s3], $0x80, $0x38;
	[tilespmem:$0xC100] =	vst v63  }
0x1d: {  	_ =	swait.ge [sflag:s11], $0x80  }
0x1e: {  	[sflag:s11] =	ssyncset.done $0x0  }
0x1f: {  	[sflag:s11] =	ssyncadd.s32 $0xFFFFFF80  }
0x20: {  	[tilespmem:s16], [sflag:$0x2] =	stream.indirect.gather [hbm4b:s1+s12], $0x40, s12, s12, $0xb8;
	[tilespmem:$0xC100] =	vst v63  }
0x21: {  	_ = 	snop  }
0x22: {  	[tilespmem:s17], [sflag:$0x2] =	stream.indirect.gather [hbm4b:s4+s12], $0x40, s12, s12, $0xb8;
	[tilespmem:$0xC100] =	vst v63  }
0x23: {  	_ = 	snop  }
0x24: {  	[tilespmem:s18], [sflag:$0x2] =	stream.indirect.gather [hbm4b:s5+s12], $0x40, s12, s12, $0xb8;
	[tilespmem:$0xC100] =	vst v63  }
0x25: {  	_ =	swait.ge [sflag:s19], $0x2000  }
0x26: {  	[sflag:s19] =	ssyncset.done $0x0  }
0x27: {  	[sflag:s19] =	ssyncadd.s32 $0xFFFFE000  }
0x28: {  	_ =	swait.ge [sflag:s19], $0x2000  }
0x29: {  	[sflag:s19] =	ssyncset.done $0x0  }
0x2a: {  	[sflag:s19] =	ssyncadd.s32 $0xFFFFE000  }
0x2b: {  	_ =	swait.ge [sflag:s19], $0x2000  }
0x2c: {  	[sflag:s19] =	ssyncset.done $0x0  }
0x2d: {  	s22 =	sadd.s32 $0x0, s8;
	[sflag:s19] =	ssyncadd.s32 $0xFFFFE000  }
0x2e: {  	[hbm4b:s22+s3] =	stream.linear.scatter [tilespmem:s13], [sflag:$0x3], $0x2000, $0x38;
	[tilespmem:$0xC100] =	vst v63  }
0x2f: {  	_ =	swait.ge [sflag:s11], $0x2000  }
0x30: {  	s23 =	rddreg [dreg:$0x4];
	[sflag:s11] =	ssyncset.done $0x0  }
0x31: {  	[sflag:s11] =	ssyncadd.s32 $0xFFFFE000;
	s23 =	sadd.s32 $0x0, s23  }
0x32: {  	[hbm4b:s23+s3] =	stream.linear.scatter [tilespmem:s14], [sflag:$0x3], $0x2000, $0x38;
	[tilespmem:$0xC100] =	vst v63  }
0x33: {  	_ =	swait.ge [sflag:s11], $0x2000  }
0x34: {  	s24 =	rddreg [dreg:$0x3];
	[sflag:s11] =	ssyncset.done $0x0  }
0x35: {  	[sflag:s11] =	ssyncadd.s32 $0xFFFFE000;
	s24 =	sadd.s32 $0x0, s24  }
0x36: {  	[hbm4b:s24+s3] =	stream.linear.scatter [tilespmem:s15], [sflag:$0x3], $0x2000, $0x38;
	[tilespmem:$0xC100] =	vst v63  }
0x37: {  	_ =	swait.ge [sflag:s11], $0x2000  }
0x38: {  	p0 =	por $0x0, $0x0;
	[sflag:s11] =	ssyncset.done $0x0  }
0x39: {  	s25 =	simm.s32 @!p0 $0x0;
	s26 =	simm.s32 @!p0 $0x3;
	[sflag:s11] =	ssyncadd.s32 $0xFFFFE000  }
0x3a: {  	[tilespmem:s25], [sflag:$0x3] =	stream.linear.gather @!p0 [hbm4b:s10+s25], $0x80, $0x38;
	[tilespmem:$0xC100] =	vst v63  }
0x3b: {  	_ =	swait.ge @!p0 [sflag:s26], $0x80  }
0x3c: {  	[sflag:s26] =	ssyncset.done @!p0 $0x0  }
0x3d: {  	s28 =	simm.s32 @!p0 $0x100;
	[sflag:s26] =	ssyncadd.s32 @!p0 $0xFFFFFF80;
	s26 =	simm.s32 @!p0 $0x80  }
0x3e: {  	[tilespmem:s28], [sflag:$0x1] =	stream.indirect.gather @!p0 [hbm4b:s1+s26], $0x40, s25, s26, $0xb8;
	[tilespmem:$0xC100] =	vst v63  }
0x3f: {  	s28 =	simm.s32 @!p0 $0x2100  }
0x40: {  	[tilespmem:s28], [sflag:$0x1] =	stream.indirect.gather @!p0 [hbm4b:s4+s26], $0x40, s25, s26, $0xb8;
	[tilespmem:$0xC100] =	vst v63  }
0x41: {  	s28 =	simm.s32 @!p0 $0x4100  }
0x42: {  	[tilespmem:s28], [sflag:$0x1] =	stream.indirect.gather @!p0 [hbm4b:s5+s26], $0x40, s25, s26, $0xb8;
	[tilespmem:$0xC100] =	vst v63  }
0x43: {  	_ =	swait.ge [sflag:s20], $0x2000  }
0x44: {  	[sflag:s20] =	ssyncset.done $0x0  }
0x45: {  	[sflag:s20] =	ssyncadd.s32 $0xFFFFE000  }
0x46: {  	_ =	swait.ge [sflag:s20], $0x2000  }
0x47: {  	[sflag:s20] =	ssyncset.done $0x0  }
0x48: {  	[sflag:s20] =	ssyncadd.s32 $0xFFFFE000  }
0x49: {  	_ =	swait.ge [sflag:s20], $0x2000  }
0x4a: {  	[sflag:s20] =	ssyncset.done $0x0  }
0x4b: {  	s22 =	sadd.s32 $0x400, s22;
	[sflag:s20] =	ssyncadd.s32 $0xFFFFE000  }
0x4c: {  	[hbm4b:s22+s3] =	stream.linear.scatter [tilespmem:s16], [sflag:$0x3], $0x2000, $0x38;
	[tilespmem:$0xC100] =	vst v63  }
0x4d: {  	_ =	swait.ge [sflag:s11], $0x2000  }
0x4e: {  	[sflag:s11] =	ssyncset.done $0x0  }
0x4f: {  	s30 =	sadd.s32 $0x400, s23;
	[sflag:s11] =	ssyncadd.s32 $0xFFFFE000  }
0x50: {  	[hbm4b:s30+s3] =	stream.linear.scatter [tilespmem:s17], [sflag:$0x3], $0x2000, $0x38;
	[tilespmem:$0xC100] =	vst v63  }
0x51: {  	_ =	swait.ge [sflag:s11], $0x2000  }
0x52: {  	[sflag:s11] =	ssyncset.done $0x0  }
0x53: {  	s31 =	sadd.s32 $0x400, s24;
	[sflag:s11] =	ssyncadd.s32 $0xFFFFE000  }
0x54: {  	[hbm4b:s31+s3] =	stream.linear.scatter [tilespmem:s18], [sflag:$0x3], $0x2000, $0x38;
	[tilespmem:$0xC100] =	vst v63  }
0x55: {  	s23 =	sadd.s32 $0x20, s10;
	_ =	swait.ge [sflag:s11], $0x2000  }
0x56: {  	s24 =	smov.u32 s9;
	s22 =	simm.s32 $0x800;
	[sflag:s11] =	ssyncset.done $0x0  }
.LBB2_2:
0x57: {  	[sflag:s11] =	ssyncadd.s32 $0xFFFFE000;
	s24 =	sadd.s32 $0x20, s24  }
0x58: {  	[tilespmem:s12], [sflag:$0x3] =	stream.linear.gather [hbm4b:s24+s3], $0x80, $0x38;
	[tilespmem:$0xC100] =	vst v63  }
0x59: {  	_ =	swait.ge [sflag:s11], $0x80  }
0x5a: {  	[sflag:s11] =	ssyncset.done $0x0  }
0x5b: {  	[sflag:s11] =	ssyncadd.s32 $0xFFFFFF80  }
0x5c: {  	[tilespmem:s16], [sflag:$0x2] =	stream.indirect.gather [hbm4b:s1+s12], $0x40, s12, s12, $0xb8;
	[tilespmem:$0xC100] =	vst v63  }
0x5d: {  	_ = 	snop  }
0x5e: {  	[tilespmem:s17], [sflag:$0x2] =	stream.indirect.gather [hbm4b:s4+s12], $0x40, s12, s12, $0xb8;
	[tilespmem:$0xC100] =	vst v63  }
0x5f: {  	_ = 	snop  }
0x60: {  	[tilespmem:s18], [sflag:$0x2] =	stream.indirect.gather [hbm4b:s5+s12], $0x40, s12, s12, $0xb8;
	[tilespmem:$0xC100] =	vst v63  }
0x61: {  	_ =	swait.ge [sflag:s19], $0x2000  }
0x62: {  	[sflag:s19] =	ssyncset.done $0x0  }
0x63: {  	[sflag:s19] =	ssyncadd.s32 $0xFFFFE000  }
0x64: {  	_ =	swait.ge [sflag:s19], $0x2000  }
0x65: {  	[sflag:s19] =	ssyncset.done $0x0  }
0x66: {  	[sflag:s19] =	ssyncadd.s32 $0xFFFFE000  }
0x67: {  	_ =	swait.ge [sflag:s19], $0x2000  }
0x68: {  	s28 =	smov.u32 s22;
	[sflag:s19] =	ssyncset.done $0x0  }
0x69: {  	s25 =	sadd.s32 s28, s8;
	[sflag:s19] =	ssyncadd.s32 $0xFFFFE000  }
0x6a: {  	[hbm4b:s25+s3] =	stream.linear.scatter [tilespmem:s13], [sflag:$0x3], $0x2000, $0x38;
	[tilespmem:$0xC100] =	vst v63  }
0x6b: {  	_ =	swait.ge [sflag:s11], $0x2000  }
0x6c: {  	s26 =	rddreg [dreg:$0x4];
	[sflag:s11] =	ssyncset.done $0x0  }
0x6d: {  	[sflag:s11] =	ssyncadd.s32 $0xFFFFE000;
	s26 =	sadd.s32 s28, s26  }
0x6e: {  	[hbm4b:s26+s3] =	stream.linear.scatter [tilespmem:s14], [sflag:$0x3], $0x2000, $0x38;
	[tilespmem:$0xC100] =	vst v63  }
0x6f: {  	_ =	swait.ge [sflag:s11], $0x2000  }
0x70: {  	s29 =	rddreg [dreg:$0x3];
	[sflag:s11] =	ssyncset.done $0x0  }
0x71: {  	[sflag:s11] =	ssyncadd.s32 $0xFFFFE000;
	s29 =	sadd.s32 s28, s29  }
0x72: {  	[hbm4b:s29+s3] =	stream.linear.scatter [tilespmem:s15], [sflag:$0x3], $0x2000, $0x38;
	[tilespmem:$0xC100] =	vst v63  }
0x73: {  	_ =	swait.ge [sflag:s11], $0x2000  }
0x74: {  	p1 =	seq.s32 s28, $0x7800;
	[sflag:s11] =	ssyncset.done $0x0  }
0x75: {  	s30 =	simm.s32 @!p1 $0x3;
	s28 =	simm.s32 @!p1 $0x0;
	[sflag:s11] =	ssyncadd.s32 $0xFFFFE000  }
0x76: {  	[tilespmem:s28], [sflag:$0x3] =	stream.linear.gather @!p1 [hbm4b:s23+s28], $0x80, $0x38;
	[tilespmem:$0xC100] =	vst v63  }
0x77: {  	_ =	swait.ge @!p1 [sflag:s30], $0x80  }
0x78: {  	[sflag:s30] =	ssyncset.done @!p1 $0x0  }
0x79: {  	s31 =	simm.s32 @!p1 $0x100;
	[sflag:s30] =	ssyncadd.s32 @!p1 $0xFFFFFF80;
	s30 =	simm.s32 @!p1 $0x80  }
0x7a: {  	[tilespmem:s31], [sflag:$0x1] =	stream.indirect.gather @!p1 [hbm4b:s1+s30], $0x40, s28, s30, $0xb8;
	[tilespmem:$0xC100] =	vst v63  }
0x7b: {  	s31 =	simm.s32 @!p1 $0x2100  }
0x7c: {  	[tilespmem:s31], [sflag:$0x1] =	stream.indirect.gather @!p1 [hbm4b:s4+s30], $0x40, s28, s30, $0xb8;
	[tilespmem:$0xC100] =	vst v63  }
0x7d: {  	s31 =	simm.s32 @!p1 $0x4100  }
0x7e: {  	[tilespmem:s31], [sflag:$0x1] =	stream.indirect.gather @!p1 [hbm4b:s5+s30], $0x40, s28, s30, $0xb8;
	[tilespmem:$0xC100] =	vst v63  }
0x7f: {  	_ =	swait.ge [sflag:s20], $0x2000  }
0x80: {  	[sflag:s20] =	ssyncset.done $0x0  }
0x81: {  	[sflag:s20] =	ssyncadd.s32 $0xFFFFE000  }
0x82: {  	_ =	swait.ge [sflag:s20], $0x2000  }
0x83: {  	[sflag:s20] =	ssyncset.done $0x0  }
0x84: {  	[sflag:s20] =	ssyncadd.s32 $0xFFFFE000  }
0x85: {  	_ =	swait.ge [sflag:s20], $0x2000  }
0x86: {  	[sflag:s20] =	ssyncset.done $0x0  }
0x87: {  	s25 =	sadd.s32 $0x400, s25;
	[sflag:s20] =	ssyncadd.s32 $0xFFFFE000  }
0x88: {  	[hbm4b:s25+s3] =	stream.linear.scatter [tilespmem:s16], [sflag:$0x3], $0x2000, $0x38;
	[tilespmem:$0xC100] =	vst v63  }
0x89: {  	_ =	swait.ge [sflag:s11], $0x2000  }
0x8a: {  	[sflag:s11] =	ssyncset.done $0x0  }
0x8b: {  	s22 =	sadd.s32 $0x800, s22;
	s30 =	sadd.s32 $0x400, s26;
	[sflag:s11] =	ssyncadd.s32 $0xFFFFE000  }
0x8c: {  	[hbm4b:s30+s3] =	stream.linear.scatter [tilespmem:s17], [sflag:$0x3], $0x2000, $0x38;
	[tilespmem:$0xC100] =	vst v63  }
0x8d: {  	p0 =	sne.s32 s22, $0x8000;
	_ =	swait.ge [sflag:s11], $0x2000  }
.Ltmp0:
0x8e: {  	[sflag:s11] =	ssyncset.done $0x0;
	(pc) =	sbr.rel @p0 .LBB2_2-.Ltmp0, $4  }
0x8f: {  	s31 =	sadd.s32 $0x400, s29;
	[sflag:s11] =	ssyncadd.s32 $0xFFFFE000  }
0x90: {  	[hbm4b:s31+s3] =	stream.linear.scatter [tilespmem:s18], [sflag:$0x3], $0x2000, $0x38;
	[tilespmem:$0xC100] =	vst v63  }
0x91: {  	_ =	swait.ge [sflag:s11], $0x2000  }
0x92: {  	s23 =	sadd.s32 $0x20, s23;
	[sflag:s11] =	ssyncset.done $0x0  }
0x93: {  	s21 =	sadd.s32 $0x1, s21  }
0x94: {  	p0 =	sne.s32 s21, s7  }
.Ltmp1:
0x95: {  	_ = 	snop;
	(pc) =	sbr.rel @p0 .LBB2_1-.Ltmp1, $2  }
0x96: {  	_ =	sdelay $0x2  }
0x97: {  	[sflag:s11] =	ssyncadd.s32 $0xFFFFE000  }
0x98: {  	_ =	sfence.sel $0x180000  }
0x99: {  	[bflag:$0x0] =	sbarrier.arrive $0xFFFF  }
0x9a: {  	p0 =	sne.s32 s2, $0x0;
	_ =	strace $0x90000047  }
0x9b: {  	s0 =	sadd.s32 @!p0 $0x100000, s0;
	[bflag:$0x2] =	sbarrier.arrive $0xFFFF  }
0x9c: {  	[sflag:s0] =	ssyncadd.tile.s32 @!p0 $0x1;
	_ =	shalt  }
.Lfunc_end2:
_tile_overlayer_lowered:
.L_overlay_start_2:
0x9d: {  	(tag) =	ssettag $0x2  }
0x9e: {  	s0 =	rddreg [dreg:$0x0];
	s2 =	stileid.u32  }
0x9f: {  	s1 =	rddreg [dreg:$0x1];
	p0 =	sne.s32 s2, $0x0  }
0xa0: {  	s3 =	rddreg [dreg:$0x2];
	[bflag:$0x3] =	sbarrier.arrive $0xFFFF;
	s2 =	simm.s32 @!p0 $0x1C03  }
0xa1: {  	[timem:s3], [sflag:s2] =	dma.local @!p0 [hbm:s0], s1  }
0xa2: {  	s0 =	simm.s32 @!p0 $0x3  }
0xa3: {  	_ =	swait.ge @!p0 [sflag:s0], s1  }
0xa4: {  	s1 =	ssub.s32 @!p0 $0x0, s1;
	[sflag:s0] =	ssyncset.done @!p0 $0x0  }
0xa5: {  	[sflag:s0] =	ssyncadd.s32 @!p0 s1  }
0xa6: {  	[bflag:$0x3] =	sbarrier.arrive $0xFFFF  }
0xa7: {  	_ =	shalt  }

</sc_bundles>
